<compile_context>
chip_gen: v7x
topology: tpu7x:2x2x1
jax: 0.10.2.dev20260603
libtpu: 0.0.44.dev20260713+nightly
codegen_flags: <defaults>
</compile_context>

<pallas_src>
import functools

import jax
import jax.numpy as jnp
from jax import lax
from jax.experimental import pallas as pl
from jax.experimental.pallas import tpu as pltpu
from jax.experimental.pallas import tpu_sc as plsc

NC = 2
NS = 16
NW = NC * NS


def _make_sc_gather(V, D, sizes):
    bs = [B // NW for B in sizes]
    ch = [min(b, 128) for b in bs]
    nc = [b // c for b, c in zip(bs, ch)]
    mesh = plsc.VectorSubcoreMesh(core_axis_name="c", subcore_axis_name="s")
    scratch = []
    for b, c, n in zip(bs, ch, nc):
        scratch += [pltpu.VMEM((n, c), jnp.int32),
                    pltpu.VMEM((b, D), jnp.float32)]
    scratch += [pltpu.SemaphoreType.DMA, pltpu.SemaphoreType.DMA]
    G = len(sizes)

    @functools.partial(
        pl.kernel,
        out_type=tuple(jax.ShapeDtypeStruct((B, D), jnp.float32)
                       for B in sizes),
        mesh=mesh,
        scratch_types=scratch,
    )
    def gather(table, *refs):
        idxs = refs[:G]
        outs = refs[G:2 * G]
        scr = refs[2 * G:]
        gsem, wsem = scr[-2], scr[-1]
        wid = lax.axis_index("s") * NC + lax.axis_index("c")
        fired = []
        for g in range(G):
            iv, rv = scr[2 * g], scr[2 * g + 1]
            base = wid * bs[g]
            for j in range(nc[g]):
                pltpu.sync_copy(idxs[g].at[pl.ds(base + j * ch[g], ch[g])],
                                iv.at[j])
            for j in range(nc[g]):
                fired.append((pltpu.async_copy(
                    table.at[iv.at[j]],
                    rv.at[pl.ds(j * ch[g], ch[g])], gsem), g, j))
        wbs = []
        for cp, g, j in fired:
            cp.wait()
            rv = scr[2 * g + 1]
            base = wid * bs[g]
            wbs.append(pltpu.async_copy(
                rv.at[pl.ds(j * ch[g], ch[g])],
                outs[g].at[pl.ds(base + j * ch[g], ch[g])], wsem))
        for cp in wbs:
            cp.wait()

    return gather


def _mm_part(dif, g, kblk_off, p, tail, bk):
    M = dif.shape[0]
    Ks, D = g.shape
    nk = Ks // bk

    dif_spec = pl.BlockSpec((M, bk), lambda k: (0, k + kblk_off))
    g_spec = pl.BlockSpec((bk, D), lambda k: (k, 0))
    full = pl.BlockSpec((M, D), lambda k: (0, 0))
    wspec = pl.BlockSpec((D, D), lambda k: (0, 0))

    if tail is None:
        def body(dif_ref, g_ref, *rest):
            (p_ref, out_ref) = ((rest[0], rest[1]) if p is not None
                                else (None, rest[0]))
            k = pl.program_id(0)
            contrib = jnp.dot(dif_ref[...], g_ref[...],
                              preferred_element_type=jnp.float32)

            @pl.when(k == 0)
            def _():
                out_ref[...] = (contrib if p_ref is None
                                else p_ref[...] + contrib)

            @pl.when(k > 0)
            def _():
                out_ref[...] += contrib

        in_specs = [dif_spec, g_spec] + ([full] if p is not None else [])
        args = (dif, g) + ((p,) if p is not None else ())
        return pl.pallas_call(
            body,
            grid=(nk,),
            in_specs=in_specs,
            out_specs=full,
            out_shape=jax.ShapeDtypeStruct((M, D), jnp.float32),
        )(*args)

    d2, wa, wb = tail

    def body(dif_ref, g_ref, *rest):
        if p is not None:
            p_ref, d2_ref, wa_ref, wb_ref, out_ref, acc_ref = rest
        else:
            d2_ref, wa_ref, wb_ref, out_ref, acc_ref = rest
            p_ref = None
        k = pl.program_id(0)
        contrib = jnp.dot(dif_ref[...], g_ref[...],
                          preferred_element_type=jnp.float32)

        @pl.when(k == 0)
        def _():
            acc_ref[...] = (contrib if p_ref is None
                            else p_ref[...] + contrib)

        @pl.when(k > 0)
        def _():
            acc_ref[...] += contrib

        @pl.when(k == nk - 1)
        def _():
            out_ref[...] = jnp.maximum(
                jnp.dot(acc_ref[...], wa_ref[...],
                        preferred_element_type=jnp.float32)
                + jnp.dot(d2_ref[...], wb_ref[...],
                          preferred_element_type=jnp.float32),
                0.0)

    in_specs = ([dif_spec, g_spec]
                + ([full] if p is not None else [])
                + [full, wspec, wspec])
    args = (dif, g) + ((p,) if p is not None else ()) + (d2, wa, wb)
    return pl.pallas_call(
        body,
        grid=(nk,),
        in_specs=in_specs,
        out_specs=full,
        out_shape=jax.ShapeDtypeStruct((M, D), jnp.float32),
        scratch_shapes=[pltpu.VMEM((M, D), jnp.float32)],
    )(*args)


def _layer2_onehot(dif, p, d2, w1a, w1b, idx_s, idx_d, wa, wb):
    M, Kv = dif.shape
    V2, D = p.shape
    bv = 512
    nv = V2 // bv

    def body(dif_ref, p_ref, d2_ref, w1a_ref, w1b_ref, is_ref, id_ref,
             wa_ref, wb_ref, out_ref, x_ref, g1_ref, d1_ref):
        c = pl.program_id(0)

        @pl.when(c == 0)
        def _():
            x_ref[...] = jnp.maximum(
                jnp.dot(p_ref[...], w1a_ref[...],
                        preferred_element_type=jnp.float32)
                + jnp.dot(d2_ref[...], w1b_ref[...],
                          preferred_element_type=jnp.float32),
                0.0)

        base = c * bv
        xc = x_ref[pl.ds(base, bv), :]
        ids_s = base + jax.lax.broadcasted_iota(jnp.int32, (Kv, bv), 1)
        o_s = (ids_s == is_ref[...]).astype(jnp.float32)
        cs = jnp.dot(o_s, xc, preferred_element_type=jnp.float32)
        ids_d = base + jax.lax.broadcasted_iota(jnp.int32, (M, bv), 1)
        o_d = (ids_d == id_ref[...]).astype(jnp.float32)
        cd = jnp.dot(o_d, xc, preferred_element_type=jnp.float32)

        @pl.when(c == 0)
        def _():
            g1_ref[...] = cs
            d1_ref[...] = cd

        @pl.when(c > 0)
        def _():
            g1_ref[...] += cs
            d1_ref[...] += cd

        @pl.when(c == nv - 1)
        def _():
            agg = jnp.dot(dif_ref[...], g1_ref[...],
                          preferred_element_type=jnp.float32)
            out_ref[...] = jnp.maximum(
                jnp.dot(agg, wa_ref[...], preferred_element_type=jnp.float32)
                + jnp.dot(d1_ref[...], wb_ref[...],
                          preferred_element_type=jnp.float32),
                0.0)

    full = lambda c: (0, 0)
    return pl.pallas_call(
        body,
        grid=(nv,),
        in_specs=[
            pl.BlockSpec((M, Kv), full),
            pl.BlockSpec((V2, D), full),
            pl.BlockSpec((V2, D), full),
            pl.BlockSpec((D, D), full),
            pl.BlockSpec((D, D), full),
            pl.BlockSpec((Kv, 1), full),
            pl.BlockSpec((M, 1), full),
            pl.BlockSpec((D, D), full),
            pl.BlockSpec((D, D), full),
        ],
        out_specs=pl.BlockSpec((M, D), full),
        out_shape=jax.ShapeDtypeStruct((M, D), jnp.float32),
        scratch_shapes=[pltpu.VMEM((V2, D), jnp.float32),
                        pltpu.VMEM((Kv, D), jnp.float32),
                        pltpu.VMEM((M, D), jnp.float32)],
    )(dif, p, d2, w1a, w1b,
      idx_s.reshape(Kv, 1), idx_d.reshape(M, 1), wa, wb)


BK = 1024


def kernel(src_nodes, dstsrc2src_1, dstsrc2src_2, dstsrc2dst_1, dstsrc2dst_2,
           dif_mat_1, dif_mat_2, w1, w2):
    V, D = src_nodes.shape
    w1a, w1b = w1[:D], w1[D:]
    w2a, w2b = w2[:D], w2[D:]

    gather_src = _make_sc_gather(V, D, (dstsrc2src_2.shape[0],))
    (g2,) = gather_src(src_nodes, dstsrc2src_2)
    gather_dst = _make_sc_gather(V, D, (dstsrc2dst_2.shape[0],))
    (d2,) = gather_dst(src_nodes, dstsrc2dst_2)
    p = _mm_part(dif_mat_2, g2, 0, None, None, BK)

    return _layer2_onehot(dif_mat_1, p, d2, w1a, w1b,
                          dstsrc2src_1, dstsrc2dst_1, w2a, w2b)

# --- scband reference (transcript-rebuilt; emitter-appended) ---
"""Pipeline reference for scband-graph-sage-79216376807521 (READ-ONLY COPY).

The authoritative reference and input builder live on the scoring server;
editing this copy changes nothing except your own understanding.
"""

import jax, jax.numpy as jnp
import numpy as np


def _glorot(key, shape):
    limit = np.sqrt(6.0 / (shape[0] + shape[1]))
    return jax.random.uniform(key, shape, dtype=jnp.float32, minval=-limit, maxval=limit)


def setup_inputs(seed: int = 0) -> dict:
    key = jax.random.key(seed)
    ks = jax.random.split(key, 9)
    src_nodes = jax.random.normal(ks[0], (18432, 128), dtype=jnp.float32)
    dstsrc2src_1 = jax.random.randint(ks[1], (2048,), 0, 2048, dtype=jnp.int32)
    dstsrc2src_2 = jax.random.randint(ks[2], (16384,), 0, 18432, dtype=jnp.int32)
    dstsrc2dst_1 = jax.random.randint(ks[3], (512,), 0, 2048, dtype=jnp.int32)
    dstsrc2dst_2 = jax.random.randint(ks[4], (2048,), 0, 18432, dtype=jnp.int32)
    # diffusion matrices: row-normalized mean-diffusion style (uniform weights scaled by 1/n_src)
    dif_mat_1 = jax.random.uniform(ks[5], (512, 2048), dtype=jnp.float32) * (1.0 / 2048.0)
    dif_mat_2 = jax.random.uniform(ks[6], (2048, 16384), dtype=jnp.float32) * (1.0 / 16384.0)
    # learned weights: MeanAggregator w has shape (src_dim * 2, dst_dim)
    w1 = _glorot(ks[7], (256, 128))  # agg_ly1: input_dim=128 -> internal_dim=128
    w2 = _glorot(ks[8], (256, 128))  # agg_ly2: internal_dim=128 -> internal_dim=128
    return {
        "src_nodes": src_nodes,
        "dstsrc2src_1": dstsrc2src_1,
        "dstsrc2src_2": dstsrc2src_2,
        "dstsrc2dst_1": dstsrc2dst_1,
        "dstsrc2dst_2": dstsrc2dst_2,
        "dif_mat_1": dif_mat_1,
        "dif_mat_2": dif_mat_2,
        "w1": w1,
        "w2": w2,
    }


def _mean_aggregator(feats, d2src, d2dst, dif_mat, w):
    dst_features = jnp.take(feats, d2dst, axis=0)
    src_features = jnp.take(feats, d2src, axis=0)
    aggregated_features = jnp.matmul(dif_mat, src_features)
    concatenated_features = jnp.concatenate([aggregated_features, dst_features], axis=1)
    x = jnp.matmul(concatenated_features, w)
    return jax.nn.relu(x)


def reference(src_nodes, dstsrc2src_1, dstsrc2src_2, dstsrc2dst_1, dstsrc2dst_2, dif_mat_1, dif_mat_2, w1, w2):
    x = _mean_aggregator(src_nodes, dstsrc2src_2, dstsrc2dst_2, dif_mat_2, w1)
    x = _mean_aggregator(x, dstsrc2src_1, dstsrc2dst_1, dif_mat_1, w2)
    return x

if __name__ == "__main__":
    import jax
    _d = setup_inputs()
    print(jax.jit(kernel)(*tuple(_d.values())))

</pallas_src>

<mosaic_0001>
#map = affine_map<(d0, d1) -> (0, 0)>
#map1 = affine_map<(d0, d1) -> (0)>
module attributes {stable_mosaic.version = 14 : i64} {
  func.func @gather(%arg0: i32, %arg1: i32, %arg2: memref<18432x128xf32, #tpu.memory_space<hbm>>, %arg3: memref<2048xi32, #tpu.memory_space<hbm>>, %arg4: memref<2048x128xf32, #tpu.memory_space<hbm>>, %arg5: memref<1x64xi32, #tpu.memory_space<vmem>>, %arg6: memref<64x128xf32, #tpu.memory_space<vmem>>, %arg7: memref<!tpu.dma_semaphore, #tpu.memory_space<semaphore_mem>>, %arg8: memref<!tpu.dma_semaphore, #tpu.memory_space<semaphore_mem>>) attributes {dimension_semantics = [#tpu.dimension_semantics<core_parallel>, #tpu.dimension_semantics<subcore_parallel>], iteration_bounds = array<i64: 2, 16>, scalar_prefetch = 0 : i64, scratch_operands = 4 : i64, tpu.core_type = #tpu.core_type<sc_vector_subcore>, window_params = [{transform_indices = #map}, {transform_indices = #map1}, {transform_indices = #map}]} {
    %mul3A = arith.constant 2 : i32
    %mul3A_0 = arith.muli %arg1, %mul3A : i32
    %add3A = arith.addi %mul3A_0, %arg0 : i32
    %mul3A_1 = arith.constant 64 : i32
    %mul3A_2 = arith.muli %add3A, %mul3A_1 : i32
    %add3A_3 = arith.constant 0 : i32
    %add3A_4 = arith.addi %mul3A_2, %add3A_3 : i32
    %run_scoped3A = arith.constant 0 : i32
    "tpu.region"() ({
      %run_scoped3A_47 = tpu.sem_alloc : memref<!tpu.dma_semaphore, #tpu.memory_space<semaphore_mem>>
      %dma_start3A_48 = arith.constant 0 : i32
      %dma_start3A_49 = tpu.memref_slice %arg5[%run_scoped3A, %dma_start3A_48] : memref<1x64xi32, #tpu.memory_space<vmem>> -> memref<1x64xi32, #tpu.memory_space<vmem>>
      %dma_start3A_50 = tpu.memref_squeeze %dma_start3A_49 : memref<1x64xi32, #tpu.memory_space<vmem>> -> memref<64xi32, #tpu.memory_space<vmem>>
      %dma_start3A_51 = tpu.memref_slice %arg3[%add3A_4] : memref<2048xi32, #tpu.memory_space<hbm>> -> memref<64xi32, #tpu.memory_space<hbm>>
      %dma_start3A_52 = arith.constant 0 : i32
      %dma_start3A_53 = tpu.memref_slice %arg5[%run_scoped3A, %dma_start3A_52] : memref<1x64xi32, #tpu.memory_space<vmem>> -> memref<1x64xi32, #tpu.memory_space<vmem>>
      %dma_start3A_54 = tpu.memref_squeeze %dma_start3A_53 : memref<1x64xi32, #tpu.memory_space<vmem>> -> memref<64xi32, #tpu.memory_space<vmem>>
      %dma_start3A_55 = tpu.memref_slice %arg3[%add3A_4] : memref<2048xi32, #tpu.memory_space<hbm>> -> memref<64xi32, #tpu.memory_space<hbm>>
      tpu.enqueue_dma source(%dma_start3A_55 : memref<64xi32, #tpu.memory_space<hbm>>) target(%dma_start3A_54 : memref<64xi32, #tpu.memory_space<vmem>>) target_semaphore(%run_scoped3A_47 : memref<!tpu.dma_semaphore, #tpu.memory_space<semaphore_mem>>)
      %dma_wait3A_56 = arith.constant 0 : i32
      %dma_wait3A_57 = tpu.memref_slice %arg5[%run_scoped3A, %dma_wait3A_56] : memref<1x64xi32, #tpu.memory_space<vmem>> -> memref<1x64xi32, #tpu.memory_space<vmem>>
      %dma_wait3A_58 = tpu.memref_squeeze %dma_wait3A_57 : memref<1x64xi32, #tpu.memory_space<vmem>> -> memref<64xi32, #tpu.memory_space<vmem>>
      %dma_wait3A_59 = tpu.memref_slice %arg3[%add3A_4] : memref<2048xi32, #tpu.memory_space<hbm>> -> memref<64xi32, #tpu.memory_space<hbm>>
      %dma_wait3A_60 = arith.constant 0 : i32
      %dma_wait3A_61 = tpu.memref_slice %arg5[%run_scoped3A, %dma_wait3A_60] : memref<1x64xi32, #tpu.memory_space<vmem>> -> memref<1x64xi32, #tpu.memory_space<vmem>>
      %dma_wait3A_62 = tpu.memref_squeeze %dma_wait3A_61 : memref<1x64xi32, #tpu.memory_space<vmem>> -> memref<64xi32, #tpu.memory_space<vmem>>
      %dma_wait3A_63 = tpu.memref_slice %arg3[%add3A_4] : memref<2048xi32, #tpu.memory_space<hbm>> -> memref<64xi32, #tpu.memory_space<hbm>>
      tpu.wait_dma2 semaphore(%run_scoped3A_47 : memref<!tpu.dma_semaphore, #tpu.memory_space<semaphore_mem>>) src(%dma_wait3A_63 : memref<64xi32, #tpu.memory_space<hbm>>) dst(%dma_wait3A_62 : memref<64xi32, #tpu.memory_space<vmem>>)
      tpu.yield
    }) : () -> ()
    %dma_start3A = arith.constant 0 : i32
    %dma_start3A_5 = arith.constant 0 : i32
    %dma_start3A_6 = arith.constant 0 : i32
    %dma_start3A_7 = tpu.memref_slice %arg6[%dma_start3A_5, %dma_start3A_6] : memref<64x128xf32, #tpu.memory_space<vmem>> -> memref<64x128xf32, #tpu.memory_space<vmem>>
    %dma_start3A_8 = arith.constant 0 : i32
    %dma_start3A_9 = tpu.memref_slice %arg5[%dma_start3A, %dma_start3A_8] : memref<1x64xi32, #tpu.memory_space<vmem>> -> memref<1x64xi32, #tpu.memory_space<vmem>>
    %dma_start3A_10 = tpu.memref_squeeze %dma_start3A_9 : memref<1x64xi32, #tpu.memory_space<vmem>> -> memref<64xi32, #tpu.memory_space<vmem>>
    %dma_start3A_11 = arith.constant 0 : i32
    %dma_start3A_12 = arith.constant 0 : i32
    %dma_start3A_13 = tpu.memref_slice %arg2[%dma_start3A_11, %dma_start3A_12] : memref<18432x128xf32, #tpu.memory_space<hbm>> -> memref<18432x128xf32, #tpu.memory_space<hbm>>
    tpu.enqueue_indirect_dma source(%dma_start3A_13 : memref<18432x128xf32, #tpu.memory_space<hbm>>) target(%dma_start3A_7 : memref<64x128xf32, #tpu.memory_space<vmem>>) offsets(%dma_start3A_10 : memref<64xi32, #tpu.memory_space<vmem>>) semaphore(%arg7 : memref<!tpu.dma_semaphore, #tpu.memory_space<semaphore_mem>>)
    %dma_wait3A = arith.constant 0 : i32
    %dma_wait3A_14 = arith.constant 0 : i32
    %dma_wait3A_15 = arith.constant 0 : i32
    %dma_wait3A_16 = tpu.memref_slice %arg6[%dma_wait3A_14, %dma_wait3A_15] : memref<64x128xf32, #tpu.memory_space<vmem>> -> memref<64x128xf32, #tpu.memory_space<vmem>>
    %dma_wait3A_17 = arith.constant 0 : i32
    %dma_wait3A_18 = tpu.memref_slice %arg5[%dma_wait3A, %dma_wait3A_17] : memref<1x64xi32, #tpu.memory_space<vmem>> -> memref<1x64xi32, #tpu.memory_space<vmem>>
    %dma_wait3A_19 = tpu.memref_squeeze %dma_wait3A_18 : memref<1x64xi32, #tpu.memory_space<vmem>> -> memref<64xi32, #tpu.memory_space<vmem>>
    %dma_wait3A_20 = arith.constant 0 : i32
    %dma_wait3A_21 = arith.constant 0 : i32
    %dma_wait3A_22 = tpu.memref_slice %arg2[%dma_wait3A_20, %dma_wait3A_21] : memref<18432x128xf32, #tpu.memory_space<hbm>> -> memref<18432x128xf32, #tpu.memory_space<hbm>>
    tpu.wait_indirect_dma semaphore(%arg7 : memref<!tpu.dma_semaphore, #tpu.memory_space<semaphore_mem>>) src(%dma_wait3A_22 : memref<18432x128xf32, #tpu.memory_space<hbm>>) dst(%dma_wait3A_16 : memref<64x128xf32, #tpu.memory_space<vmem>>)
    %mul3A_23 = arith.constant 64 : i32
    %mul3A_24 = arith.muli %add3A, %mul3A_23 : i32
    %add3A_25 = arith.constant 0 : i32
    %add3A_26 = arith.addi %mul3A_24, %add3A_25 : i32
    %dma_start3A_27 = arith.constant 0 : i32
    %dma_start3A_28 = arith.constant 0 : i32
    %dma_start3A_29 = tpu.memref_slice %arg6[%dma_start3A_27, %dma_start3A_28] : memref<64x128xf32, #tpu.memory_space<vmem>> -> memref<64x128xf32, #tpu.memory_space<vmem>>
    %dma_start3A_30 = arith.constant 0 : i32
    %dma_start3A_31 = tpu.memref_slice %arg4[%add3A_26, %dma_start3A_30] : memref<2048x128xf32, #tpu.memory_space<hbm>> -> memref<64x128xf32, #tpu.memory_space<hbm>>
    %dma_start3A_32 = arith.constant 0 : i32
    %dma_start3A_33 = tpu.memref_slice %arg4[%add3A_26, %dma_start3A_32] : memref<2048x128xf32, #tpu.memory_space<hbm>> -> memref<64x128xf32, #tpu.memory_space<hbm>>
    %dma_start3A_34 = arith.constant 0 : i32
    %dma_start3A_35 = arith.constant 0 : i32
    %dma_start3A_36 = tpu.memref_slice %arg6[%dma_start3A_34, %dma_start3A_35] : memref<64x128xf32, #tpu.memory_space<vmem>> -> memref<64x128xf32, #tpu.memory_space<vmem>>
    tpu.enqueue_dma source(%dma_start3A_36 : memref<64x128xf32, #tpu.memory_space<vmem>>) target(%dma_start3A_33 : memref<64x128xf32, #tpu.memory_space<hbm>>) target_semaphore(%arg8 : memref<!tpu.dma_semaphore, #tpu.memory_space<semaphore_mem>>)
    %dma_wait3A_37 = arith.constant 0 : i32
    %dma_wait3A_38 = arith.constant 0 : i32
    %dma_wait3A_39 = tpu.memref_slice %arg6[%dma_wait3A_37, %dma_wait3A_38] : memref<64x128xf32, #tpu.memory_space<vmem>> -> memref<64x128xf32, #tpu.memory_space<vmem>>
    %dma_wait3A_40 = arith.constant 0 : i32
    %dma_wait3A_41 = tpu.memref_slice %arg4[%add3A_26, %dma_wait3A_40] : memref<2048x128xf32, #tpu.memory_space<hbm>> -> memref<64x128xf32, #tpu.memory_space<hbm>>
    %dma_wait3A_42 = arith.constant 0 : i32
    %dma_wait3A_43 = tpu.memref_slice %arg4[%add3A_26, %dma_wait3A_42] : memref<2048x128xf32, #tpu.memory_space<hbm>> -> memref<64x128xf32, #tpu.memory_space<hbm>>
    %dma_wait3A_44 = arith.constant 0 : i32
    %dma_wait3A_45 = arith.constant 0 : i32
    %dma_wait3A_46 = tpu.memref_slice %arg6[%dma_wait3A_44, %dma_wait3A_45] : memref<64x128xf32, #tpu.memory_space<vmem>> -> memref<64x128xf32, #tpu.memory_space<vmem>>
    tpu.wait_dma2 semaphore(%arg8 : memref<!tpu.dma_semaphore, #tpu.memory_space<semaphore_mem>>) src(%dma_wait3A_46 : memref<64x128xf32, #tpu.memory_space<vmem>>) dst(%dma_wait3A_43 : memref<64x128xf32, #tpu.memory_space<hbm>>)
    return
  }
}

#map = affine_map<(d0, d1) -> (0, 0)>
#map1 = affine_map<(d0, d1) -> (0)>
module attributes {stable_mosaic.version = 14 : i64} {
  func.func @gather(%arg0: i32, %arg1: i32, %arg2: memref<18432x128xf32, #tpu.memory_space<hbm>>, %arg3: memref<16384xi32, #tpu.memory_space<hbm>>, %arg4: memref<16384x128xf32, #tpu.memory_space<hbm>>, %arg5: memref<4x128xi32, #tpu.memory_space<vmem>>, %arg6: memref<512x128xf32, #tpu.memory_space<vmem>>, %arg7: memref<!tpu.dma_semaphore, #tpu.memory_space<semaphore_mem>>, %arg8: memref<!tpu.dma_semaphore, #tpu.memory_space<semaphore_mem>>) attributes {dimension_semantics = [#tpu.dimension_semantics<core_parallel>, #tpu.dimension_semantics<subcore_parallel>], iteration_bounds = array<i64: 2, 16>, scalar_prefetch = 0 : i64, scratch_operands = 4 : i64, tpu.core_type = #tpu.core_type<sc_vector_subcore>, window_params = [{transform_indices = #map}, {transform_indices = #map1}, {transform_indices = #map}]} {
    %mul3A = arith.constant 2 : i32
    %mul3A_0 = arith.muli %arg1, %mul3A : i32
    %add3A = arith.addi %mul3A_0, %arg0 : i32
    %mul3A_1 = arith.constant 512 : i32
    %mul3A_2 = arith.muli %add3A, %mul3A_1 : i32
    %add3A_3 = arith.constant 0 : i32
    %add3A_4 = arith.addi %mul3A_2, %add3A_3 : i32
    %run_scoped3A = arith.constant 0 : i32
    "tpu.region"() ({
      %run_scoped3A_188 = tpu.sem_alloc : memref<!tpu.dma_semaphore, #tpu.memory_space<semaphore_mem>>
      %dma_start3A_189 = arith.constant 0 : i32
      %dma_start3A_190 = tpu.memref_slice %arg5[%run_scoped3A, %dma_start3A_189] : memref<4x128xi32, #tpu.memory_space<vmem>> -> memref<1x128xi32, #tpu.memory_space<vmem>>
      %dma_start3A_191 = tpu.memref_squeeze %dma_start3A_190 : memref<1x128xi32, #tpu.memory_space<vmem>> -> memref<128xi32, #tpu.memory_space<vmem>>
      %dma_start3A_192 = tpu.memref_slice %arg3[%add3A_4] : memref<16384xi32, #tpu.memory_space<hbm>> -> memref<128xi32, #tpu.memory_space<hbm>>
      %dma_start3A_193 = arith.constant 0 : i32
      %dma_start3A_194 = tpu.memref_slice %arg5[%run_scoped3A, %dma_start3A_193] : memref<4x128xi32, #tpu.memory_space<vmem>> -> memref<1x128xi32, #tpu.memory_space<vmem>>
      %dma_start3A_195 = tpu.memref_squeeze %dma_start3A_194 : memref<1x128xi32, #tpu.memory_space<vmem>> -> memref<128xi32, #tpu.memory_space<vmem>>
      %dma_start3A_196 = tpu.memref_slice %arg3[%add3A_4] : memref<16384xi32, #tpu.memory_space<hbm>> -> memref<128xi32, #tpu.memory_space<hbm>>
      tpu.enqueue_dma source(%dma_start3A_196 : memref<128xi32, #tpu.memory_space<hbm>>) target(%dma_start3A_195 : memref<128xi32, #tpu.memory_space<vmem>>) target_semaphore(%run_scoped3A_188 : memref<!tpu.dma_semaphore, #tpu.memory_space<semaphore_mem>>)
      %dma_wait3A_197 = arith.constant 0 : i32
      %dma_wait3A_198 = tpu.memref_slice %arg5[%run_scoped3A, %dma_wait3A_197] : memref<4x128xi32, #tpu.memory_space<vmem>> -> memref<1x128xi32, #tpu.memory_space<vmem>>
      %dma_wait3A_199 = tpu.memref_squeeze %dma_wait3A_198 : memref<1x128xi32, #tpu.memory_space<vmem>> -> memref<128xi32, #tpu.memory_space<vmem>>
      %dma_wait3A_200 = tpu.memref_slice %arg3[%add3A_4] : memref<16384xi32, #tpu.memory_space<hbm>> -> memref<128xi32, #tpu.memory_space<hbm>>
      %dma_wait3A_201 = arith.constant 0 : i32
      %dma_wait3A_202 = tpu.memref_slice %arg5[%run_scoped3A, %dma_wait3A_201] : memref<4x128xi32, #tpu.memory_space<vmem>> -> memref<1x128xi32, #tpu.memory_space<vmem>>
      %dma_wait3A_203 = tpu.memref_squeeze %dma_wait3A_202 : memref<1x128xi32, #tpu.memory_space<vmem>> -> memref<128xi32, #tpu.memory_space<vmem>>
      %dma_wait3A_204 = tpu.memref_slice %arg3[%add3A_4] : memref<16384xi32, #tpu.memory_space<hbm>> -> memref<128xi32, #tpu.memory_space<hbm>>
      tpu.wait_dma2 semaphore(%run_scoped3A_188 : memref<!tpu.dma_semaphore, #tpu.memory_space<semaphore_mem>>) src(%dma_wait3A_204 : memref<128xi32, #tpu.memory_space<hbm>>) dst(%dma_wait3A_203 : memref<128xi32, #tpu.memory_space<vmem>>)
      tpu.yield
    }) : () -> ()
    %add3A_5 = arith.constant 128 : i32
    %add3A_6 = arith.addi %mul3A_2, %add3A_5 : i32
    %run_scoped3A_7 = arith.constant 1 : i32
    "tpu.region"() ({
      %run_scoped3A_188 = tpu.sem_alloc : memref<!tpu.dma_semaphore, #tpu.memory_space<semaphore_mem>>
      %dma_start3A_189 = arith.constant 0 : i32
      %dma_start3A_190 = tpu.memref_slice %arg5[%run_scoped3A_7, %dma_start3A_189] : memref<4x128xi32, #tpu.memory_space<vmem>> -> memref<1x128xi32, #tpu.memory_space<vmem>>
      %dma_start3A_191 = tpu.memref_squeeze %dma_start3A_190 : memref<1x128xi32, #tpu.memory_space<vmem>> -> memref<128xi32, #tpu.memory_space<vmem>>
      %dma_start3A_192 = tpu.memref_slice %arg3[%add3A_6] : memref<16384xi32, #tpu.memory_space<hbm>> -> memref<128xi32, #tpu.memory_space<hbm>>
      %dma_start3A_193 = arith.constant 0 : i32
      %dma_start3A_194 = tpu.memref_slice %arg5[%run_scoped3A_7, %dma_start3A_193] : memref<4x128xi32, #tpu.memory_space<vmem>> -> memref<1x128xi32, #tpu.memory_space<vmem>>
      %dma_start3A_195 = tpu.memref_squeeze %dma_start3A_194 : memref<1x128xi32, #tpu.memory_space<vmem>> -> memref<128xi32, #tpu.memory_space<vmem>>
      %dma_start3A_196 = tpu.memref_slice %arg3[%add3A_6] : memref<16384xi32, #tpu.memory_space<hbm>> -> memref<128xi32, #tpu.memory_space<hbm>>
      tpu.enqueue_dma source(%dma_start3A_196 : memref<128xi32, #tpu.memory_space<hbm>>) target(%dma_start3A_195 : memref<128xi32, #tpu.memory_space<vmem>>) target_semaphore(%run_scoped3A_188 : memref<!tpu.dma_semaphore, #tpu.memory_space<semaphore_mem>>)
      %dma_wait3A_197 = arith.constant 0 : i32
      %dma_wait3A_198 = tpu.memref_slice %arg5[%run_scoped3A_7, %dma_wait3A_197] : memref<4x128xi32, #tpu.memory_space<vmem>> -> memref<1x128xi32, #tpu.memory_space<vmem>>
      %dma_wait3A_199 = tpu.memref_squeeze %dma_wait3A_198 : memref<1x128xi32, #tpu.memory_space<vmem>> -> memref<128xi32, #tpu.memory_space<vmem>>
      %dma_wait3A_200 = tpu.memref_slice %arg3[%add3A_6] : memref<16384xi32, #tpu.memory_space<hbm>> -> memref<128xi32, #tpu.memory_space<hbm>>
      %dma_wait3A_201 = arith.constant 0 : i32
      %dma_wait3A_202 = tpu.memref_slice %arg5[%run_scoped3A_7, %dma_wait3A_201] : memref<4x128xi32, #tpu.memory_space<vmem>> -> memref<1x128xi32, #tpu.memory_space<vmem>>
      %dma_wait3A_203 = tpu.memref_squeeze %dma_wait3A_202 : memref<1x128xi32, #tpu.memory_space<vmem>> -> memref<128xi32, #tpu.memory_space<vmem>>
      %dma_wait3A_204 = tpu.memref_slice %arg3[%add3A_6] : memref<16384xi32, #tpu.memory_space<hbm>> -> memref<128xi32, #tpu.memory_space<hbm>>
      tpu.wait_dma2 semaphore(%run_scoped3A_188 : memref<!tpu.dma_semaphore, #tpu.memory_space<semaphore_mem>>) src(%dma_wait3A_204 : memref<128xi32, #tpu.memory_space<hbm>>) dst(%dma_wait3A_203 : memref<128xi32, #tpu.memory_space<vmem>>)
      tpu.yield
    }) : () -> ()
    %add3A_8 = arith.constant 256 : i32
    %add3A_9 = arith.addi %mul3A_2, %add3A_8 : i32
    %run_scoped3A_10 = arith.constant 2 : i32
    "tpu.region"() ({
      %run_scoped3A_188 = tpu.sem_alloc : memref<!tpu.dma_semaphore, #tpu.memory_space<semaphore_mem>>
      %dma_start3A_189 = arith.constant 0 : i32
      %dma_start3A_190 = tpu.memref_slice %arg5[%run_scoped3A_10, %dma_start3A_189] : memref<4x128xi32, #tpu.memory_space<vmem>> -> memref<1x128xi32, #tpu.memory_space<vmem>>
      %dma_start3A_191 = tpu.memref_squeeze %dma_start3A_190 : memref<1x128xi32, #tpu.memory_space<vmem>> -> memref<128xi32, #tpu.memory_space<vmem>>
      %dma_start3A_192 = tpu.memref_slice %arg3[%add3A_9] : memref<16384xi32, #tpu.memory_space<hbm>> -> memref<128xi32, #tpu.memory_space<hbm>>
      %dma_start3A_193 = arith.constant 0 : i32
      %dma_start3A_194 = tpu.memref_slice %arg5[%run_scoped3A_10, %dma_start3A_193] : memref<4x128xi32, #tpu.memory_space<vmem>> -> memref<1x128xi32, #tpu.memory_space<vmem>>
      %dma_start3A_195 = tpu.memref_squeeze %dma_start3A_194 : memref<1x128xi32, #tpu.memory_space<vmem>> -> memref<128xi32, #tpu.memory_space<vmem>>
      %dma_start3A_196 = tpu.memref_slice %arg3[%add3A_9] : memref<16384xi32, #tpu.memory_space<hbm>> -> memref<128xi32, #tpu.memory_space<hbm>>
      tpu.enqueue_dma source(%dma_start3A_196 : memref<128xi32, #tpu.memory_space<hbm>>) target(%dma_start3A_195 : memref<128xi32, #tpu.memory_space<vmem>>) target_semaphore(%run_scoped3A_188 : memref<!tpu.dma_semaphore, #tpu.memory_space<semaphore_mem>>)
      %dma_wait3A_197 = arith.constant 0 : i32
      %dma_wait3A_198 = tpu.memref_slice %arg5[%run_scoped3A_10, %dma_wait3A_197] : memref<4x128xi32, #tpu.memory_space<vmem>> -> memref<1x128xi32, #tpu.memory_space<vmem>>
      %dma_wait3A_199 = tpu.memref_squeeze %dma_wait3A_198 : memref<1x128xi32, #tpu.memory_space<vmem>> -> memref<128xi32, #tpu.memory_space<vmem>>
      %dma_wait3A_200 = tpu.memref_slice %arg3[%add3A_9] : memref<16384xi32, #tpu.memory_space<hbm>> -> memref<128xi32, #tpu.memory_space<hbm>>
      %dma_wait3A_201 = arith.constant 0 : i32
      %dma_wait3A_202 = tpu.memref_slice %arg5[%run_scoped3A_10, %dma_wait3A_201] : memref<4x128xi32, #tpu.memory_space<vmem>> -> memref<1x128xi32, #tpu.memory_space<vmem>>
      %dma_wait3A_203 = tpu.memref_squeeze %dma_wait3A_202 : memref<1x128xi32, #tpu.memory_space<vmem>> -> memref<128xi32, #tpu.memory_space<vmem>>
      %dma_wait3A_204 = tpu.memref_slice %arg3[%add3A_9] : memref<16384xi32, #tpu.memory_space<hbm>> -> memref<128xi32, #tpu.memory_space<hbm>>
      tpu.wait_dma2 semaphore(%run_scoped3A_188 : memref<!tpu.dma_semaphore, #tpu.memory_space<semaphore_mem>>) src(%dma_wait3A_204 : memref<128xi32, #tpu.memory_space<hbm>>) dst(%dma_wait3A_203 : memref<128xi32, #tpu.memory_space<vmem>>)
      tpu.yield
    }) : () -> ()
    %add3A_11 = arith.constant 384 : i32
    %add3A_12 = arith.addi %mul3A_2, %add3A_11 : i32
    %run_scoped3A_13 = arith.constant 3 : i32
    "tpu.region"() ({
      %run_scoped3A_188 = tpu.sem_alloc : memref<!tpu.dma_semaphore, #tpu.memory_space<semaphore_mem>>
      %dma_start3A_189 = arith.constant 0 : i32
      %dma_start3A_190 = tpu.memref_slice %arg5[%run_scoped3A_13, %dma_start3A_189] : memref<4x128xi32, #tpu.memory_space<vmem>> -> memref<1x128xi32, #tpu.memory_space<vmem>>
      %dma_start3A_191 = tpu.memref_squeeze %dma_start3A_190 : memref<1x128xi32, #tpu.memory_space<vmem>> -> memref<128xi32, #tpu.memory_space<vmem>>
      %dma_start3A_192 = tpu.memref_slice %arg3[%add3A_12] : memref<16384xi32, #tpu.memory_space<hbm>> -> memref<128xi32, #tpu.memory_space<hbm>>
      %dma_start3A_193 = arith.constant 0 : i32
      %dma_start3A_194 = tpu.memref_slice %arg5[%run_scoped3A_13, %dma_start3A_193] : memref<4x128xi32, #tpu.memory_space<vmem>> -> memref<1x128xi32, #tpu.memory_space<vmem>>
      %dma_start3A_195 = tpu.memref_squeeze %dma_start3A_194 : memref<1x128xi32, #tpu.memory_space<vmem>> -> memref<128xi32, #tpu.memory_space<vmem>>
      %dma_start3A_196 = tpu.memref_slice %arg3[%add3A_12] : memref<16384xi32, #tpu.memory_space<hbm>> -> memref<128xi32, #tpu.memory_space<hbm>>
      tpu.enqueue_dma source(%dma_start3A_196 : memref<128xi32, #tpu.memory_space<hbm>>) target(%dma_start3A_195 : memref<128xi32, #tpu.memory_space<vmem>>) target_semaphore(%run_scoped3A_188 : memref<!tpu.dma_semaphore, #tpu.memory_space<semaphore_mem>>)
      %dma_wait3A_197 = arith.constant 0 : i32
      %dma_wait3A_198 = tpu.memref_slice %arg5[%run_scoped3A_13, %dma_wait3A_197] : memref<4x128xi32, #tpu.memory_space<vmem>> -> memref<1x128xi32, #tpu.memory_space<vmem>>
      %dma_wait3A_199 = tpu.memref_squeeze %dma_wait3A_198 : memref<1x128xi32, #tpu.memory_space<vmem>> -> memref<128xi32, #tpu.memory_space<vmem>>
      %dma_wait3A_200 = tpu.memref_slice %arg3[%add3A_12] : memref<16384xi32, #tpu.memory_space<hbm>> -> memref<128xi32, #tpu.memory_space<hbm>>
      %dma_wait3A_201 = arith.constant 0 : i32
      %dma_wait3A_202 = tpu.memref_slice %arg5[%run_scoped3A_13, %dma_wait3A_201] : memref<4x128xi32, #tpu.memory_space<vmem>> -> memref<1x128xi32, #tpu.memory_space<vmem>>
      %dma_wait3A_203 = tpu.memref_squeeze %dma_wait3A_202 : memref<1x128xi32, #tpu.memory_space<vmem>> -> memref<128xi32, #tpu.memory_space<vmem>>
      %dma_wait3A_204 = tpu.memref_slice %arg3[%add3A_12] : memref<16384xi32, #tpu.memory_space<hbm>> -> memref<128xi32, #tpu.memory_space<hbm>>
      tpu.wait_dma2 semaphore(%run_scoped3A_188 : memref<!tpu.dma_semaphore, #tpu.memory_space<semaphore_mem>>) src(%dma_wait3A_204 : memref<128xi32, #tpu.memory_space<hbm>>) dst(%dma_wait3A_203 : memref<128xi32, #tpu.memory_space<vmem>>)
      tpu.yield
    }) : () -> ()
    %dma_start3A = arith.constant 0 : i32
    %dma_start3A_14 = arith.constant 0 : i32
    %dma_start3A_15 = arith.constant 0 : i32
    %dma_start3A_16 = tpu.memref_slice %arg6[%dma_start3A_14, %dma_start3A_15] : memref<512x128xf32, #tpu.memory_space<vmem>> -> memref<128x128xf32, #tpu.memory_space<vmem>>
    %dma_start3A_17 = arith.constant 0 : i32
    %dma_start3A_18 = tpu.memref_slice %arg5[%dma_start3A, %dma_start3A_17] : memref<4x128xi32, #tpu.memory_space<vmem>> -> memref<1x128xi32, #tpu.memory_space<vmem>>
    %dma_start3A_19 = tpu.memref_squeeze %dma_start3A_18 : memref<1x128xi32, #tpu.memory_space<vmem>> -> memref<128xi32, #tpu.memory_space<vmem>>
    %dma_start3A_20 = arith.constant 0 : i32
    %dma_start3A_21 = arith.constant 0 : i32
    %dma_start3A_22 = tpu.memref_slice %arg2[%dma_start3A_20, %dma_start3A_21] : memref<18432x128xf32, #tpu.memory_space<hbm>> -> memref<18432x128xf32, #tpu.memory_space<hbm>>
    tpu.enqueue_indirect_dma source(%dma_start3A_22 : memref<18432x128xf32, #tpu.memory_space<hbm>>) target(%dma_start3A_16 : memref<128x128xf32, #tpu.memory_space<vmem>>) offsets(%dma_start3A_19 : memref<128xi32, #tpu.memory_space<vmem>>) semaphore(%arg7 : memref<!tpu.dma_semaphore, #tpu.memory_space<semaphore_mem>>)
    %dma_start3A_23 = arith.constant 1 : i32
    %dma_start3A_24 = arith.constant 128 : i32
    %dma_start3A_25 = arith.constant 0 : i32
    %dma_start3A_26 = tpu.memref_slice %arg6[%dma_start3A_24, %dma_start3A_25] : memref<512x128xf32, #tpu.memory_space<vmem>> -> memref<128x128xf32, #tpu.memory_space<vmem>>
    %dma_start3A_27 = arith.constant 0 : i32
    %dma_start3A_28 = tpu.memref_slice %arg5[%dma_start3A_23, %dma_start3A_27] : memref<4x128xi32, #tpu.memory_space<vmem>> -> memref<1x128xi32, #tpu.memory_space<vmem>>
    %dma_start3A_29 = tpu.memref_squeeze %dma_start3A_28 : memref<1x128xi32, #tpu.memory_space<vmem>> -> memref<128xi32, #tpu.memory_space<vmem>>
    %dma_start3A_30 = arith.constant 0 : i32
    %dma_start3A_31 = arith.constant 0 : i32
    %dma_start3A_32 = tpu.memref_slice %arg2[%dma_start3A_30, %dma_start3A_31] : memref<18432x128xf32, #tpu.memory_space<hbm>> -> memref<18432x128xf32, #tpu.memory_space<hbm>>
    tpu.enqueue_indirect_dma source(%dma_start3A_32 : memref<18432x128xf32, #tpu.memory_space<hbm>>) target(%dma_start3A_26 : memref<128x128xf32, #tpu.memory_space<vmem>>) offsets(%dma_start3A_29 : memref<128xi32, #tpu.memory_space<vmem>>) semaphore(%arg7 : memref<!tpu.dma_semaphore, #tpu.memory_space<semaphore_mem>>)
    %dma_start3A_33 = arith.constant 2 : i32
    %dma_start3A_34 = arith.constant 256 : i32
    %dma_start3A_35 = arith.constant 0 : i32
    %dma_start3A_36 = tpu.memref_slice %arg6[%dma_start3A_34, %dma_start3A_35] : memref<512x128xf32, #tpu.memory_space<vmem>> -> memref<128x128xf32, #tpu.memory_space<vmem>>
    %dma_start3A_37 = arith.constant 0 : i32
    %dma_start3A_38 = tpu.memref_slice %arg5[%dma_start3A_33, %dma_start3A_37] : memref<4x128xi32, #tpu.memory_space<vmem>> -> memref<1x128xi32, #tpu.memory_space<vmem>>
    %dma_start3A_39 = tpu.memref_squeeze %dma_start3A_38 : memref<1x128xi32, #tpu.memory_space<vmem>> -> memref<128xi32, #tpu.memory_space<vmem>>
    %dma_start3A_40 = arith.constant 0 : i32
    %dma_start3A_41 = arith.constant 0 : i32
    %dma_start3A_42 = tpu.memref_slice %arg2[%dma_start3A_40, %dma_start3A_41] : memref<18432x128xf32, #tpu.memory_space<hbm>> -> memref<18432x128xf32, #tpu.memory_space<hbm>>
    tpu.enqueue_indirect_dma source(%dma_start3A_42 : memref<18432x128xf32, #tpu.memory_space<hbm>>) target(%dma_start3A_36 : memref<128x128xf32, #tpu.memory_space<vmem>>) offsets(%dma_start3A_39 : memref<128xi32, #tpu.memory_space<vmem>>) semaphore(%arg7 : memref<!tpu.dma_semaphore, #tpu.memory_space<semaphore_mem>>)
    %dma_start3A_43 = arith.constant 3 : i32
    %dma_start3A_44 = arith.constant 384 : i32
    %dma_start3A_45 = arith.constant 0 : i32
    %dma_start3A_46 = tpu.memref_slice %arg6[%dma_start3A_44, %dma_start3A_45] : memref<512x128xf32, #tpu.memory_space<vmem>> -> memref<128x128xf32, #tpu.memory_space<vmem>>
    %dma_start3A_47 = arith.constant 0 : i32
    %dma_start3A_48 = tpu.memref_slice %arg5[%dma_start3A_43, %dma_start3A_47] : memref<4x128xi32, #tpu.memory_space<vmem>> -> memref<1x128xi32, #tpu.memory_space<vmem>>
    %dma_start3A_49 = tpu.memref_squeeze %dma_start3A_48 : memref<1x128xi32, #tpu.memory_space<vmem>> -> memref<128xi32, #tpu.memory_space<vmem>>
    %dma_start3A_50 = arith.constant 0 : i32
    %dma_start3A_51 = arith.constant 0 : i32
    %dma_start3A_52 = tpu.memref_slice %arg2[%dma_start3A_50, %dma_start3A_51] : memref<18432x128xf32, #tpu.memory_space<hbm>> -> memref<18432x128xf32, #tpu.memory_space<hbm>>
    tpu.enqueue_indirect_dma source(%dma_start3A_52 : memref<18432x128xf32, #tpu.memory_space<hbm>>) target(%dma_start3A_46 : memref<128x128xf32, #tpu.memory_space<vmem>>) offsets(%dma_start3A_49 : memref<128xi32, #tpu.memory_space<vmem>>) semaphore(%arg7 : memref<!tpu.dma_semaphore, #tpu.memory_space<semaphore_mem>>)
    %dma_wait3A = arith.constant 0 : i32
    %dma_wait3A_53 = arith.constant 0 : i32
    %dma_wait3A_54 = arith.constant 0 : i32
    %dma_wait3A_55 = tpu.memref_slice %arg6[%dma_wait3A_53, %dma_wait3A_54] : memref<512x128xf32, #tpu.memory_space<vmem>> -> memref<128x128xf32, #tpu.memory_space<vmem>>
    %dma_wait3A_56 = arith.constant 0 : i32
    %dma_wait3A_57 = tpu.memref_slice %arg5[%dma_wait3A, %dma_wait3A_56] : memref<4x128xi32, #tpu.memory_space<vmem>> -> memref<1x128xi32, #tpu.memory_space<vmem>>
    %dma_wait3A_58 = tpu.memref_squeeze %dma_wait3A_57 : memref<1x128xi32, #tpu.memory_space<vmem>> -> memref<128xi32, #tpu.memory_space<vmem>>
    %dma_wait3A_59 = arith.constant 0 : i32
    %dma_wait3A_60 = arith.constant 0 : i32
    %dma_wait3A_61 = tpu.memref_slice %arg2[%dma_wait3A_59, %dma_wait3A_60] : memref<18432x128xf32, #tpu.memory_space<hbm>> -> memref<18432x128xf32, #tpu.memory_space<hbm>>
    tpu.wait_indirect_dma semaphore(%arg7 : memref<!tpu.dma_semaphore, #tpu.memory_space<semaphore_mem>>) src(%dma_wait3A_61 : memref<18432x128xf32, #tpu.memory_space<hbm>>) dst(%dma_wait3A_55 : memref<128x128xf32, #tpu.memory_space<vmem>>)
    %mul3A_62 = arith.constant 512 : i32
    %mul3A_63 = arith.muli %add3A, %mul3A_62 : i32
    %add3A_64 = arith.constant 0 : i32
    %add3A_65 = arith.addi %mul3A_63, %add3A_64 : i32
    %dma_start3A_66 = arith.constant 0 : i32
    %dma_start3A_67 = arith.constant 0 : i32
    %dma_start3A_68 = tpu.memref_slice %arg6[%dma_start3A_66, %dma_start3A_67] : memref<512x128xf32, #tpu.memory_space<vmem>> -> memref<128x128xf32, #tpu.memory_space<vmem>>
    %dma_start3A_69 = arith.constant 0 : i32
    %dma_start3A_70 = tpu.memref_slice %arg4[%add3A_65, %dma_start3A_69] : memref<16384x128xf32, #tpu.memory_space<hbm>> -> memref<128x128xf32, #tpu.memory_space<hbm>>
    %dma_start3A_71 = arith.constant 0 : i32
    %dma_start3A_72 = tpu.memref_slice %arg4[%add3A_65, %dma_start3A_71] : memref<16384x128xf32, #tpu.memory_space<hbm>> -> memref<128x128xf32, #tpu.memory_space<hbm>>
    %dma_start3A_73 = arith.constant 0 : i32
    %dma_start3A_74 = arith.constant 0 : i32
    %dma_start3A_75 = tpu.memref_slice %arg6[%dma_start3A_73, %dma_start3A_74] : memref<512x128xf32, #tpu.memory_space<vmem>> -> memref<128x128xf32, #tpu.memory_space<vmem>>
    tpu.enqueue_dma source(%dma_start3A_75 : memref<128x128xf32, #tpu.memory_space<vmem>>) target(%dma_start3A_72 : memref<128x128xf32, #tpu.memory_space<hbm>>) target_semaphore(%arg8 : memref<!tpu.dma_semaphore, #tpu.memory_space<semaphore_mem>>)
    %dma_wait3A_76 = arith.constant 1 : i32
    %dma_wait3A_77 = arith.constant 128 : i32
    %dma_wait3A_78 = arith.constant 0 : i32
    %dma_wait3A_79 = tpu.memref_slice %arg6[%dma_wait3A_77, %dma_wait3A_78] : memref<512x128xf32, #tpu.memory_space<vmem>> -> memref<128x128xf32, #tpu.memory_space<vmem>>
    %dma_wait3A_80 = arith.constant 0 : i32
    %dma_wait3A_81 = tpu.memref_slice %arg5[%dma_wait3A_76, %dma_wait3A_80] : memref<4x128xi32, #tpu.memory_space<vmem>> -> memref<1x128xi32, #tpu.memory_space<vmem>>
    %dma_wait3A_82 = tpu.memref_squeeze %dma_wait3A_81 : memref<1x128xi32, #tpu.memory_space<vmem>> -> memref<128xi32, #tpu.memory_space<vmem>>
    %dma_wait3A_83 = arith.constant 0 : i32
    %dma_wait3A_84 = arith.constant 0 : i32
    %dma_wait3A_85 = tpu.memref_slice %arg2[%dma_wait3A_83, %dma_wait3A_84] : memref<18432x128xf32, #tpu.memory_space<hbm>> -> memref<18432x128xf32, #tpu.memory_space<hbm>>
    tpu.wait_indirect_dma semaphore(%arg7 : memref<!tpu.dma_semaphore, #tpu.memory_space<semaphore_mem>>) src(%dma_wait3A_85 : memref<18432x128xf32, #tpu.memory_space<hbm>>) dst(%dma_wait3A_79 : memref<128x128xf32, #tpu.memory_space<vmem>>)
    %mul3A_86 = arith.constant 512 : i32
    %mul3A_87 = arith.muli %add3A, %mul3A_86 : i32
    %add3A_88 = arith.constant 128 : i32
    %add3A_89 = arith.addi %mul3A_87, %add3A_88 : i32
    %dma_start3A_90 = arith.constant 128 : i32
    %dma_start3A_91 = arith.constant 0 : i32
    %dma_start3A_92 = tpu.memref_slice %arg6[%dma_start3A_90, %dma_start3A_91] : memref<512x128xf32, #tpu.memory_space<vmem>> -> memref<128x128xf32, #tpu.memory_space<vmem>>
    %dma_start3A_93 = arith.constant 0 : i32
    %dma_start3A_94 = tpu.memref_slice %arg4[%add3A_89, %dma_start3A_93] : memref<16384x128xf32, #tpu.memory_space<hbm>> -> memref<128x128xf32, #tpu.memory_space<hbm>>
    %dma_start3A_95 = arith.constant 0 : i32
    %dma_start3A_96 = tpu.memref_slice %arg4[%add3A_89, %dma_start3A_95] : memref<16384x128xf32, #tpu.memory_space<hbm>> -> memref<128x128xf32, #tpu.memory_space<hbm>>
    %dma_start3A_97 = arith.constant 128 : i32
    %dma_start3A_98 = arith.constant 0 : i32
    %dma_start3A_99 = tpu.memref_slice %arg6[%dma_start3A_97, %dma_start3A_98] : memref<512x128xf32, #tpu.memory_space<vmem>> -> memref<128x128xf32, #tpu.memory_space<vmem>>
    tpu.enqueue_dma source(%dma_start3A_99 : memref<128x128xf32, #tpu.memory_space<vmem>>) target(%dma_start3A_96 : memref<128x128xf32, #tpu.memory_space<hbm>>) target_semaphore(%arg8 : memref<!tpu.dma_semaphore, #tpu.memory_space<semaphore_mem>>)
    %dma_wait3A_100 = arith.constant 2 : i32
    %dma_wait3A_101 = arith.constant 256 : i32
    %dma_wait3A_102 = arith.constant 0 : i32
    %dma_wait3A_103 = tpu.memref_slice %arg6[%dma_wait3A_101, %dma_wait3A_102] : memref<512x128xf32, #tpu.memory_space<vmem>> -> memref<128x128xf32, #tpu.memory_space<vmem>>
    %dma_wait3A_104 = arith.constant 0 : i32
    %dma_wait3A_105 = tpu.memref_slice %arg5[%dma_wait3A_100, %dma_wait3A_104] : memref<4x128xi32, #tpu.memory_space<vmem>> -> memref<1x128xi32, #tpu.memory_space<vmem>>
    %dma_wait3A_106 = tpu.memref_squeeze %dma_wait3A_105 : memref<1x128xi32, #tpu.memory_space<vmem>> -> memref<128xi32, #tpu.memory_space<vmem>>
    %dma_wait3A_107 = arith.constant 0 : i32
    %dma_wait3A_108 = arith.constant 0 : i32
    %dma_wait3A_109 = tpu.memref_slice %arg2[%dma_wait3A_107, %dma_wait3A_108] : memref<18432x128xf32, #tpu.memory_space<hbm>> -> memref<18432x128xf32, #tpu.memory_space<hbm>>
    tpu.wait_indirect_dma semaphore(%arg7 : memref<!tpu.dma_semaphore, #tpu.memory_space<semaphore_mem>>) src(%dma_wait3A_109 : memref<18432x128xf32, #tpu.memory_space<hbm>>) dst(%dma_wait3A_103 : memref<128x128xf32, #tpu.memory_space<vmem>>)
    %mul3A_110 = arith.constant 512 : i32
    %mul3A_111 = arith.muli %add3A, %mul3A_110 : i32
    %add3A_112 = arith.constant 256 : i32
    %add3A_113 = arith.addi %mul3A_111, %add3A_112 : i32
    %dma_start3A_114 = arith.constant 256 : i32
    %dma_start3A_115 = arith.constant 0 : i32
    %dma_start3A_116 = tpu.memref_slice %arg6[%dma_start3A_114, %dma_start3A_115] : memref<512x128xf32, #tpu.memory_space<vmem>> -> memref<128x128xf32, #tpu.memory_space<vmem>>
    %dma_start3A_117 = arith.constant 0 : i32
    %dma_start3A_118 = tpu.memref_slice %arg4[%add3A_113, %dma_start3A_117] : memref<16384x128xf32, #tpu.memory_space<hbm>> -> memref<128x128xf32, #tpu.memory_space<hbm>>
    %dma_start3A_119 = arith.constant 0 : i32
    %dma_start3A_120 = tpu.memref_slice %arg4[%add3A_113, %dma_start3A_119] : memref<16384x128xf32, #tpu.memory_space<hbm>> -> memref<128x128xf32, #tpu.memory_space<hbm>>
    %dma_start3A_121 = arith.constant 256 : i32
    %dma_start3A_122 = arith.constant 0 : i32
    %dma_start3A_123 = tpu.memref_slice %arg6[%dma_start3A_121, %dma_start3A_122] : memref<512x128xf32, #tpu.memory_space<vmem>> -> memref<128x128xf32, #tpu.memory_space<vmem>>
    tpu.enqueue_dma source(%dma_start3A_123 : memref<128x128xf32, #tpu.memory_space<vmem>>) target(%dma_start3A_120 : memref<128x128xf32, #tpu.memory_space<hbm>>) target_semaphore(%arg8 : memref<!tpu.dma_semaphore, #tpu.memory_space<semaphore_mem>>)
    %dma_wait3A_124 = arith.constant 3 : i32
    %dma_wait3A_125 = arith.constant 384 : i32
    %dma_wait3A_126 = arith.constant 0 : i32
    %dma_wait3A_127 = tpu.memref_slice %arg6[%dma_wait3A_125, %dma_wait3A_126] : memref<512x128xf32, #tpu.memory_space<vmem>> -> memref<128x128xf32, #tpu.memory_space<vmem>>
    %dma_wait3A_128 = arith.constant 0 : i32
    %dma_wait3A_129 = tpu.memref_slice %arg5[%dma_wait3A_124, %dma_wait3A_128] : memref<4x128xi32, #tpu.memory_space<vmem>> -> memref<1x128xi32, #tpu.memory_space<vmem>>
    %dma_wait3A_130 = tpu.memref_squeeze %dma_wait3A_129 : memref<1x128xi32, #tpu.memory_space<vmem>> -> memref<128xi32, #tpu.memory_space<vmem>>
    %dma_wait3A_131 = arith.constant 0 : i32
    %dma_wait3A_132 = arith.constant 0 : i32
    %dma_wait3A_133 = tpu.memref_slice %arg2[%dma_wait3A_131, %dma_wait3A_132] : memref<18432x128xf32, #tpu.memory_space<hbm>> -> memref<18432x128xf32, #tpu.memory_space<hbm>>
    tpu.wait_indirect_dma semaphore(%arg7 : memref<!tpu.dma_semaphore, #tpu.memory_space<semaphore_mem>>) src(%dma_wait3A_133 : memref<18432x128xf32, #tpu.memory_space<hbm>>) dst(%dma_wait3A_127 : memref<128x128xf32, #tpu.memory_space<vmem>>)
    %mul3A_134 = arith.constant 512 : i32
    %mul3A_135 = arith.muli %add3A, %mul3A_134 : i32
    %add3A_136 = arith.constant 384 : i32
    %add3A_137 = arith.addi %mul3A_135, %add3A_136 : i32
    %dma_start3A_138 = arith.constant 384 : i32
    %dma_start3A_139 = arith.constant 0 : i32
    %dma_start3A_140 = tpu.memref_slice %arg6[%dma_start3A_138, %dma_start3A_139] : memref<512x128xf32, #tpu.memory_space<vmem>> -> memref<128x128xf32, #tpu.memory_space<vmem>>
    %dma_start3A_141 = arith.constant 0 : i32
    %dma_start3A_142 = tpu.memref_slice %arg4[%add3A_137, %dma_start3A_141] : memref<16384x128xf32, #tpu.memory_space<hbm>> -> memref<128x128xf32, #tpu.memory_space<hbm>>
    %dma_start3A_143 = arith.constant 0 : i32
    %dma_start3A_144 = tpu.memref_slice %arg4[%add3A_137, %dma_start3A_143] : memref<16384x128xf32, #tpu.memory_space<hbm>> -> memref<128x128xf32, #tpu.memory_space<hbm>>
    %dma_start3A_145 = arith.constant 384 : i32
    %dma_start3A_146 = arith.constant 0 : i32
    %dma_start3A_147 = tpu.memref_slice %arg6[%dma_start3A_145, %dma_start3A_146] : memref<512x128xf32, #tpu.memory_space<vmem>> -> memref<128x128xf32, #tpu.memory_space<vmem>>
    tpu.enqueue_dma source(%dma_start3A_147 : memref<128x128xf32, #tpu.memory_space<vmem>>) target(%dma_start3A_144 : memref<128x128xf32, #tpu.memory_space<hbm>>) target_semaphore(%arg8 : memref<!tpu.dma_semaphore, #tpu.memory_space<semaphore_mem>>)
    %dma_wait3A_148 = arith.constant 0 : i32
    %dma_wait3A_149 = arith.constant 0 : i32
    %dma_wait3A_150 = tpu.memref_slice %arg6[%dma_wait3A_148, %dma_wait3A_149] : memref<512x128xf32, #tpu.memory_space<vmem>> -> memref<128x128xf32, #tpu.memory_space<vmem>>
    %dma_wait3A_151 = arith.constant 0 : i32
    %dma_wait3A_152 = tpu.memref_slice %arg4[%add3A_65, %dma_wait3A_151] : memref<16384x128xf32, #tpu.memory_space<hbm>> -> memref<128x128xf32, #tpu.memory_space<hbm>>
    %dma_wait3A_153 = arith.constant 0 : i32
    %dma_wait3A_154 = tpu.memref_slice %arg4[%add3A_65, %dma_wait3A_153] : memref<16384x128xf32, #tpu.memory_space<hbm>> -> memref<128x128xf32, #tpu.memory_space<hbm>>
    %dma_wait3A_155 = arith.constant 0 : i32
    %dma_wait3A_156 = arith.constant 0 : i32
    %dma_wait3A_157 = tpu.memref_slice %arg6[%dma_wait3A_155, %dma_wait3A_156] : memref<512x128xf32, #tpu.memory_space<vmem>> -> memref<128x128xf32, #tpu.memory_space<vmem>>
    tpu.wait_dma2 semaphore(%arg8 : memref<!tpu.dma_semaphore, #tpu.memory_space<semaphore_mem>>) src(%dma_wait3A_157 : memref<128x128xf32, #tpu.memory_space<vmem>>) dst(%dma_wait3A_154 : memref<128x128xf32, #tpu.memory_space<hbm>>)
    %dma_wait3A_158 = arith.constant 128 : i32
    %dma_wait3A_159 = arith.constant 0 : i32
    %dma_wait3A_160 = tpu.memref_slice %arg6[%dma_wait3A_158, %dma_wait3A_159] : memref<512x128xf32, #tpu.memory_space<vmem>> -> memref<128x128xf32, #tpu.memory_space<vmem>>
    %dma_wait3A_161 = arith.constant 0 : i32
    %dma_wait3A_162 = tpu.memref_slice %arg4[%add3A_89, %dma_wait3A_161] : memref<16384x128xf32, #tpu.memory_space<hbm>> -> memref<128x128xf32, #tpu.memory_space<hbm>>
    %dma_wait3A_163 = arith.constant 0 : i32
    %dma_wait3A_164 = tpu.memref_slice %arg4[%add3A_89, %dma_wait3A_163] : memref<16384x128xf32, #tpu.memory_space<hbm>> -> memref<128x128xf32, #tpu.memory_space<hbm>>
    %dma_wait3A_165 = arith.constant 128 : i32
    %dma_wait3A_166 = arith.constant 0 : i32
    %dma_wait3A_167 = tpu.memref_slice %arg6[%dma_wait3A_165, %dma_wait3A_166] : memref<512x128xf32, #tpu.memory_space<vmem>> -> memref<128x128xf32, #tpu.memory_space<vmem>>
    tpu.wait_dma2 semaphore(%arg8 : memref<!tpu.dma_semaphore, #tpu.memory_space<semaphore_mem>>) src(%dma_wait3A_167 : memref<128x128xf32, #tpu.memory_space<vmem>>) dst(%dma_wait3A_164 : memref<128x128xf32, #tpu.memory_space<hbm>>)
    %dma_wait3A_168 = arith.constant 256 : i32
    %dma_wait3A_169 = arith.constant 0 : i32
    %dma_wait3A_170 = tpu.memref_slice %arg6[%dma_wait3A_168, %dma_wait3A_169] : memref<512x128xf32, #tpu.memory_space<vmem>> -> memref<128x128xf32, #tpu.memory_space<vmem>>
    %dma_wait3A_171 = arith.constant 0 : i32
    %dma_wait3A_172 = tpu.memref_slice %arg4[%add3A_113, %dma_wait3A_171] : memref<16384x128xf32, #tpu.memory_space<hbm>> -> memref<128x128xf32, #tpu.memory_space<hbm>>
    %dma_wait3A_173 = arith.constant 0 : i32
    %dma_wait3A_174 = tpu.memref_slice %arg4[%add3A_113, %dma_wait3A_173] : memref<16384x128xf32, #tpu.memory_space<hbm>> -> memref<128x128xf32, #tpu.memory_space<hbm>>
    %dma_wait3A_175 = arith.constant 256 : i32
    %dma_wait3A_176 = arith.constant 0 : i32
    %dma_wait3A_177 = tpu.memref_slice %arg6[%dma_wait3A_175, %dma_wait3A_176] : memref<512x128xf32, #tpu.memory_space<vmem>> -> memref<128x128xf32, #tpu.memory_space<vmem>>
    tpu.wait_dma2 semaphore(%arg8 : memref<!tpu.dma_semaphore, #tpu.memory_space<semaphore_mem>>) src(%dma_wait3A_177 : memref<128x128xf32, #tpu.memory_space<vmem>>) dst(%dma_wait3A_174 : memref<128x128xf32, #tpu.memory_space<hbm>>)
    %dma_wait3A_178 = arith.constant 384 : i32
    %dma_wait3A_179 = arith.constant 0 : i32
    %dma_wait3A_180 = tpu.memref_slice %arg6[%dma_wait3A_178, %dma_wait3A_179] : memref<512x128xf32, #tpu.memory_space<vmem>> -> memref<128x128xf32, #tpu.memory_space<vmem>>
    %dma_wait3A_181 = arith.constant 0 : i32
    %dma_wait3A_182 = tpu.memref_slice %arg4[%add3A_137, %dma_wait3A_181] : memref<16384x128xf32, #tpu.memory_space<hbm>> -> memref<128x128xf32, #tpu.memory_space<hbm>>
    %dma_wait3A_183 = arith.constant 0 : i32
    %dma_wait3A_184 = tpu.memref_slice %arg4[%add3A_137, %dma_wait3A_183] : memref<16384x128xf32, #tpu.memory_space<hbm>> -> memref<128x128xf32, #tpu.memory_space<hbm>>
    %dma_wait3A_185 = arith.constant 384 : i32
    %dma_wait3A_186 = arith.constant 0 : i32
    %dma_wait3A_187 = tpu.memref_slice %arg6[%dma_wait3A_185, %dma_wait3A_186] : memref<512x128xf32, #tpu.memory_space<vmem>> -> memref<128x128xf32, #tpu.memory_space<vmem>>
    tpu.wait_dma2 semaphore(%arg8 : memref<!tpu.dma_semaphore, #tpu.memory_space<semaphore_mem>>) src(%dma_wait3A_187 : memref<128x128xf32, #tpu.memory_space<vmem>>) dst(%dma_wait3A_184 : memref<128x128xf32, #tpu.memory_space<hbm>>)
    return
  }
}

module attributes {stable_mosaic.version = 14 : i64} {
  func.func @body(%arg0: i32, %arg1: memref<2048x1024xf32, #tpu.memory_space<vmem>>, %arg2: memref<1024x128xf32, #tpu.memory_space<vmem>>, %arg3: memref<2048x128xf32, #tpu.memory_space<vmem>>) attributes {dimension_semantics = [#tpu.dimension_semantics<arbitrary>], iteration_bounds = array<i64: 16>, scalar_prefetch = 0 : i64, scratch_operands = 0 : i64, tpu.core_type = #tpu.core_type<tc>, window_params = [{transform_indices = @transform_0, window_bounds = array<i64: 2048, 1024>}, {transform_indices = @transform_1, window_bounds = array<i64: 1024, 128>}, {pipeline_mode = #tpu.pipeline_mode<synchronous>, transform_indices = @transform_2, window_bounds = array<i64: 2048, 128>}]} {
    %get3A = arith.constant 0 : index
    %get3A_0 = arith.constant 0 : index
    %get3A_1 = vector.load %arg1[%get3A, %get3A_0] : memref<2048x1024xf32, #tpu.memory_space<vmem>>, vector<2048x1024xf32>
    %get3A_2 = arith.constant 0 : index
    %get3A_3 = arith.constant 0 : index
    %get3A_4 = vector.load %arg2[%get3A_2, %get3A_3] : memref<1024x128xf32, #tpu.memory_space<vmem>>, vector<1024x128xf32>
    %dot_general3A = arith.constant dense<0.000000e+00> : vector<2048x128xf32>
    %dot_general3A_5 = tpu.matmul %get3A_1, %get3A_4, %dot_general3A {dimension_numbers = #tpu.dot_dimension_numbers<[1], [0], [0], [1], [0, 0, 1, 1], [], []>, transpose_lhs_hint = false} : vector<2048x1024xf32>, vector<1024x128xf32>, vector<2048x128xf32> -> vector<2048x128xf32>
    %eq3A = arith.constant 0 : i32
    %eq3A_6 = arith.cmpi eq, %arg0, %eq3A : i32
    %convert_element_type3A = arith.extui %eq3A_6 : i1 to i32
    %cond3A = arith.constant 0 : i32
    %cond3A_7 = arith.cmpi ne, %convert_element_type3A, %cond3A : i32
    scf.if %cond3A_7 {
      %swap3A = arith.constant 0 : index
      %swap3A_12 = arith.constant 0 : index
      %swap3A_13 = vector.load %arg3[%swap3A, %swap3A_12] : memref<2048x128xf32, #tpu.memory_space<vmem>>, vector<2048x128xf32>
      tpu.vector_store %arg3[%swap3A, %swap3A_12], %dot_general3A_5 {strides = array<i32>} : memref<2048x128xf32, #tpu.memory_space<vmem>>, vector<2048x128xf32>,
    } else {
    }
    %gt3A = arith.constant 0 : i32
    %gt3A_8 = arith.cmpi sgt, %arg0, %gt3A : i32
    %convert_element_type3A_9 = arith.extui %gt3A_8 : i1 to i32
    %cond3A_10 = arith.constant 0 : i32
    %cond3A_11 = arith.cmpi ne, %convert_element_type3A_9, %cond3A_10 : i32
    scf.if %cond3A_11 {
      %get3A_12 = arith.constant 0 : index
      %get3A_13 = arith.constant 0 : index
      %get3A_14 = vector.load %arg3[%get3A_12, %get3A_13] : memref<2048x128xf32, #tpu.memory_space<vmem>>, vector<2048x128xf32>
      %add3A = arith.addf %get3A_14, %dot_general3A_5 : vector<2048x128xf32>
      %swap3A = arith.constant 0 : index
      %swap3A_15 = arith.constant 0 : index
      %swap3A_16 = vector.load %arg3[%swap3A, %swap3A_15] : memref<2048x128xf32, #tpu.memory_space<vmem>>, vector<2048x128xf32>
      tpu.vector_store %arg3[%swap3A, %swap3A_15], %add3A {strides = array<i32>} : memref<2048x128xf32, #tpu.memory_space<vmem>>, vector<2048x128xf32>,
    } else {
    }
    return
  }
  func.func @transform_0(%arg0: i32) -> (i32, i32) {
    %add3A = arith.constant 0 : i32
    %add3A_0 = arith.addi %arg0, %add3A : i32
    %c0_i32 = arith.constant 0 : i32
    %c0_i32_1 = arith.constant 0 : i32
    return %c0_i32, %add3A_0 : i32, i32
  }
  func.func @transform_1(%arg0: i32) -> (i32, i32) {
    %c0_i32 = arith.constant 0 : i32
    %c0_i32_0 = arith.constant 0 : i32
    return %arg0, %c0_i32 : i32, i32
  }
  func.func @transform_2(%arg0: i32) -> (i32, i32) {
    %c0_i32 = arith.constant 0 : i32
    %c0_i32_0 = arith.constant 0 : i32
    %c0_i32_1 = arith.constant 0 : i32
    return %c0_i32, %c0_i32_0 : i32, i32
  }
}

module attributes {stable_mosaic.version = 14 : i64} {
  func.func @body(%arg0: i32, %arg1: memref<512x2048xf32, #tpu.memory_space<vmem>>, %arg2: memref<2048x128xf32, #tpu.memory_space<vmem>>, %arg3: memref<2048x128xf32, #tpu.memory_space<vmem>>, %arg4: memref<128x128xf32, #tpu.memory_space<vmem>>, %arg5: memref<128x128xf32, #tpu.memory_space<vmem>>, %arg6: memref<2048x1xi32, #tpu.memory_space<vmem>>, %arg7: memref<512x1xi32, #tpu.memory_space<vmem>>, %arg8: memref<128x128xf32, #tpu.memory_space<vmem>>, %arg9: memref<128x128xf32, #tpu.memory_space<vmem>>, %arg10: memref<512x128xf32, #tpu.memory_space<vmem>>, %arg11: memref<2048x128xf32, #tpu.memory_space<vmem>>, %arg12: memref<2048x128xf32, #tpu.memory_space<vmem>>, %arg13: memref<512x128xf32, #tpu.memory_space<vmem>>) attributes {dimension_semantics = [#tpu.dimension_semantics<arbitrary>], iteration_bounds = array<i64: 4>, scalar_prefetch = 0 : i64, scratch_operands = 3 : i64, tpu.core_type = #tpu.core_type<tc>, window_params = [{pipeline_mode = #tpu.pipeline_mode<synchronous>, transform_indices = @transform_0, window_bounds = array<i64: 512, 2048>}, {pipeline_mode = #tpu.pipeline_mode<synchronous>, transform_indices = @transform_1, window_bounds = array<i64: 2048, 128>}, {pipeline_mode = #tpu.pipeline_mode<synchronous>, transform_indices = @transform_2, window_bounds = array<i64: 2048, 128>}, {pipeline_mode = #tpu.pipeline_mode<synchronous>, transform_indices = @transform_3, window_bounds = array<i64: 128, 128>}, {pipeline_mode = #tpu.pipeline_mode<synchronous>, transform_indices = @transform_4, window_bounds = array<i64: 128, 128>}, {pipeline_mode = #tpu.pipeline_mode<synchronous>, transform_indices = @transform_5, window_bounds = array<i64: 2048, 1>}, {pipeline_mode = #tpu.pipeline_mode<synchronous>, transform_indices = @transform_6, window_bounds = array<i64: 512, 1>}, {pipeline_mode = #tpu.pipeline_mode<synchronous>, transform_indices = @transform_7, window_bounds = array<i64: 128, 128>}, {pipeline_mode = #tpu.pipeline_mode<synchronous>, transform_indices = @transform_8, window_bounds = array<i64: 128, 128>}, {pipeline_mode = #tpu.pipeline_mode<synchronous>, transform_indices = @transform_9, window_bounds = array<i64: 512, 128>}]} {
    %eq3A = arith.constant 0 : i32
    %eq3A_0 = arith.cmpi eq, %arg0, %eq3A : i32
    %convert_element_type3A = arith.extui %eq3A_0 : i1 to i32
    %cond3A = arith.constant 0 : i32
    %cond3A_1 = arith.cmpi ne, %convert_element_type3A, %cond3A : i32
    scf.if %cond3A_1 {
      %get3A_40 = arith.constant 0 : index
      %get3A_41 = arith.constant 0 : index
      %get3A_42 = vector.load %arg2[%get3A_40, %get3A_41] : memref<2048x128xf32, #tpu.memory_space<vmem>>, vector<2048x128xf32>
      %get3A_43 = arith.constant 0 : index
      %get3A_44 = arith.constant 0 : index
      %get3A_45 = vector.load %arg4[%get3A_43, %get3A_44] : memref<128x128xf32, #tpu.memory_space<vmem>>, vector<128x128xf32>
      %dot_general3A_46 = arith.constant dense<0.000000e+00> : vector<2048x128xf32>
      %dot_general3A_47 = tpu.matmul %get3A_42, %get3A_45, %dot_general3A_46 {dimension_numbers = #tpu.dot_dimension_numbers<[1], [0], [0], [1], [0, 0, 1, 1], [], []>, transpose_lhs_hint = false} : vector<2048x128xf32>, vector<128x128xf32>, vector<2048x128xf32> -> vector<2048x128xf32>
      %get3A_48 = arith.constant 0 : index
      %get3A_49 = arith.constant 0 : index
      %get3A_50 = vector.load %arg3[%get3A_48, %get3A_49] : memref<2048x128xf32, #tpu.memory_space<vmem>>, vector<2048x128xf32>
      %get3A_51 = arith.constant 0 : index
      %get3A_52 = arith.constant 0 : index
      %get3A_53 = vector.load %arg5[%get3A_51, %get3A_52] : memref<128x128xf32, #tpu.memory_space<vmem>>, vector<128x128xf32>
      %dot_general3A_54 = arith.constant dense<0.000000e+00> : vector<2048x128xf32>
      %dot_general3A_55 = tpu.matmul %get3A_50, %get3A_53, %dot_general3A_54 {dimension_numbers = #tpu.dot_dimension_numbers<[1], [0], [0], [1], [0, 0, 1, 1], [], []>, transpose_lhs_hint = false} : vector<2048x128xf32>, vector<128x128xf32>, vector<2048x128xf32> -> vector<2048x128xf32>
      %add3A_56 = arith.addf %dot_general3A_47, %dot_general3A_55 : vector<2048x128xf32>
      %max3A = arith.constant 0.000000e+00 : f32
      %max3A_57 = vector.broadcast %max3A : f32 to vector<2048x128xf32>
      %max3A_58 = arith.maximumf %add3A_56, %max3A_57 : vector<2048x128xf32>
      %swap3A = arith.constant 0 : index
      %swap3A_59 = arith.constant 0 : index
      %swap3A_60 = vector.load %arg11[%swap3A, %swap3A_59] : memref<2048x128xf32, #tpu.memory_space<vmem>>, vector<2048x128xf32>
      tpu.vector_store %arg11[%swap3A, %swap3A_59], %max3A_58 {strides = array<i32>} : memref<2048x128xf32, #tpu.memory_space<vmem>>, vector<2048x128xf32>,
    } else {
    }
    %mul3A = arith.constant 512 : i32
    %mul3A_2 = arith.muli %arg0, %mul3A : i32
    %get3A = arith.index_cast %mul3A_2 : i32 to index
    %get3A_3 = arith.constant 0 : index
    %get3A_4 = vector.load %arg11[%get3A, %get3A_3] : memref<2048x128xf32, #tpu.memory_space<vmem>>, vector<512x128xf32>
    %iota3A = tpu.iota {dimensions = array<i32: 1>} : vector<2048x512xi32>
    %add3A = vector.broadcast %mul3A_2 : i32 to vector<2048x512xi32>
    %add3A_5 = arith.addi %add3A, %iota3A : vector<2048x512xi32>
    %get3A_6 = arith.constant 0 : index
    %get3A_7 = arith.constant 0 : index
    %get3A_8 = vector.load %arg6[%get3A_6, %get3A_7] : memref<2048x1xi32, #tpu.memory_space<vmem>>, vector<2048x1xi32>
    %eq3A_9 = vector.broadcast %get3A_8 : vector<2048x1xi32> to vector<2048x512xi32>
    %eq3A_10 = arith.cmpi eq, %add3A_5, %eq3A_9 : vector<2048x512xi32>
    %convert_element_type3A_11 = arith.extui %eq3A_10 : vector<2048x512xi1> to vector<2048x512xi32>
    %convert_element_type3A_12 = arith.sitofp %convert_element_type3A_11 : vector<2048x512xi32> to vector<2048x512xf32>
    %dot_general3A = arith.constant dense<0.000000e+00> : vector<2048x128xf32>
    %dot_general3A_13 = tpu.matmul %convert_element_type3A_12, %get3A_4, %dot_general3A {dimension_numbers = #tpu.dot_dimension_numbers<[1], [0], [0], [1], [0, 0, 1, 1], [], []>, transpose_lhs_hint = false} : vector<2048x512xf32>, vector<512x128xf32>, vector<2048x128xf32> -> vector<2048x128xf32>
    %iota3A_14 = tpu.iota {dimensions = array<i32: 1>} : vector<512x512xi32>
    %add3A_15 = vector.broadcast %mul3A_2 : i32 to vector<512x512xi32>
    %add3A_16 = arith.addi %add3A_15, %iota3A_14 : vector<512x512xi32>
    %get3A_17 = arith.constant 0 : index
    %get3A_18 = arith.constant 0 : index
    %get3A_19 = vector.load %arg7[%get3A_17, %get3A_18] : memref<512x1xi32, #tpu.memory_space<vmem>>, vector<512x1xi32>
    %eq3A_20 = vector.broadcast %get3A_19 : vector<512x1xi32> to vector<512x512xi32>
    %eq3A_21 = arith.cmpi eq, %add3A_16, %eq3A_20 : vector<512x512xi32>
    %convert_element_type3A_22 = arith.extui %eq3A_21 : vector<512x512xi1> to vector<512x512xi32>
    %convert_element_type3A_23 = arith.sitofp %convert_element_type3A_22 : vector<512x512xi32> to vector<512x512xf32>
    %dot_general3A_24 = arith.constant dense<0.000000e+00> : vector<512x128xf32>
    %dot_general3A_25 = tpu.matmul %convert_element_type3A_23, %get3A_4, %dot_general3A_24 {dimension_numbers = #tpu.dot_dimension_numbers<[1], [0], [0], [1], [0, 0, 1, 1], [], []>, transpose_lhs_hint = false} : vector<512x512xf32>, vector<512x128xf32>, vector<512x128xf32> -> vector<512x128xf32>
    %eq3A_26 = arith.constant 0 : i32
    %eq3A_27 = arith.cmpi eq, %arg0, %eq3A_26 : i32
    %convert_element_type3A_28 = arith.extui %eq3A_27 : i1 to i32
    %cond3A_29 = arith.constant 0 : i32
    %cond3A_30 = arith.cmpi ne, %convert_element_type3A_28, %cond3A_29 : i32
    scf.if %cond3A_30 {
      %swap3A = arith.constant 0 : index
      %swap3A_40 = arith.constant 0 : index
      %swap3A_41 = vector.load %arg12[%swap3A, %swap3A_40] : memref<2048x128xf32, #tpu.memory_space<vmem>>, vector<2048x128xf32>
      tpu.vector_store %arg12[%swap3A, %swap3A_40], %dot_general3A_13 {strides = array<i32>} : memref<2048x128xf32, #tpu.memory_space<vmem>>, vector<2048x128xf32>,
      %swap3A_42 = arith.constant 0 : index
      %swap3A_43 = arith.constant 0 : index
      %swap3A_44 = vector.load %arg13[%swap3A_42, %swap3A_43] : memref<512x128xf32, #tpu.memory_space<vmem>>, vector<512x128xf32>
      tpu.vector_store %arg13[%swap3A_42, %swap3A_43], %dot_general3A_25 {strides = array<i32>} : memref<512x128xf32, #tpu.memory_space<vmem>>, vector<512x128xf32>,
    } else {
    }
    %gt3A = arith.constant 0 : i32
    %gt3A_31 = arith.cmpi sgt, %arg0, %gt3A : i32
    %convert_element_type3A_32 = arith.extui %gt3A_31 : i1 to i32
    %cond3A_33 = arith.constant 0 : i32
    %cond3A_34 = arith.cmpi ne, %convert_element_type3A_32, %cond3A_33 : i32
    scf.if %cond3A_34 {
      %get3A_40 = arith.constant 0 : index
      %get3A_41 = arith.constant 0 : index
      %get3A_42 = vector.load %arg12[%get3A_40, %get3A_41] : memref<2048x128xf32, #tpu.memory_space<vmem>>, vector<2048x128xf32>
      %add3A_43 = arith.addf %get3A_42, %dot_general3A_13 : vector<2048x128xf32>
      %swap3A = arith.constant 0 : index
      %swap3A_44 = arith.constant 0 : index
      %swap3A_45 = vector.load %arg12[%swap3A, %swap3A_44] : memref<2048x128xf32, #tpu.memory_space<vmem>>, vector<2048x128xf32>
      tpu.vector_store %arg12[%swap3A, %swap3A_44], %add3A_43 {strides = array<i32>} : memref<2048x128xf32, #tpu.memory_space<vmem>>, vector<2048x128xf32>,
      %get3A_46 = arith.constant 0 : index
      %get3A_47 = arith.constant 0 : index
      %get3A_48 = vector.load %arg13[%get3A_46, %get3A_47] : memref<512x128xf32, #tpu.memory_space<vmem>>, vector<512x128xf32>
      %add3A_49 = arith.addf %get3A_48, %dot_general3A_25 : vector<512x128xf32>
      %swap3A_50 = arith.constant 0 : index
      %swap3A_51 = arith.constant 0 : index
      %swap3A_52 = vector.load %arg13[%swap3A_50, %swap3A_51] : memref<512x128xf32, #tpu.memory_space<vmem>>, vector<512x128xf32>
      tpu.vector_store %arg13[%swap3A_50, %swap3A_51], %add3A_49 {strides = array<i32>} : memref<512x128xf32, #tpu.memory_space<vmem>>, vector<512x128xf32>,
    } else {
    }
    %eq3A_35 = arith.constant 3 : i32
    %eq3A_36 = arith.cmpi eq, %arg0, %eq3A_35 : i32
    %convert_element_type3A_37 = arith.extui %eq3A_36 : i1 to i32
    %cond3A_38 = arith.constant 0 : i32
    %cond3A_39 = arith.cmpi ne, %convert_element_type3A_37, %cond3A_38 : i32
    scf.if %cond3A_39 {
      %get3A_40 = arith.constant 0 : index
      %get3A_41 = arith.constant 0 : index
      %get3A_42 = vector.load %arg1[%get3A_40, %get3A_41] : memref<512x2048xf32, #tpu.memory_space<vmem>>, vector<512x2048xf32>
      %get3A_43 = arith.constant 0 : index
      %get3A_44 = arith.constant 0 : index
      %get3A_45 = vector.load %arg12[%get3A_43, %get3A_44] : memref<2048x128xf32, #tpu.memory_space<vmem>>, vector<2048x128xf32>
      %dot_general3A_46 = arith.constant dense<0.000000e+00> : vector<512x128xf32>
      %dot_general3A_47 = tpu.matmul %get3A_42, %get3A_45, %dot_general3A_46 {dimension_numbers = #tpu.dot_dimension_numbers<[1], [0], [0], [1], [0, 0, 1, 1], [], []>, transpose_lhs_hint = false} : vector<512x2048xf32>, vector<2048x128xf32>, vector<512x128xf32> -> vector<512x128xf32>
      %get3A_48 = arith.constant 0 : index
      %get3A_49 = arith.constant 0 : index
      %get3A_50 = vector.load %arg8[%get3A_48, %get3A_49] : memref<128x128xf32, #tpu.memory_space<vmem>>, vector<128x128xf32>
      %dot_general3A_51 = arith.constant dense<0.000000e+00> : vector<512x128xf32>
      %dot_general3A_52 = tpu.matmul %dot_general3A_47, %get3A_50, %dot_general3A_51 {dimension_numbers = #tpu.dot_dimension_numbers<[1], [0], [0], [1], [0, 0, 1, 1], [], []>, transpose_lhs_hint = false} : vector<512x128xf32>, vector<128x128xf32>, vector<512x128xf32> -> vector<512x128xf32>
      %get3A_53 = arith.constant 0 : index
      %get3A_54 = arith.constant 0 : index
      %get3A_55 = vector.load %arg13[%get3A_53, %get3A_54] : memref<512x128xf32, #tpu.memory_space<vmem>>, vector<512x128xf32>
      %get3A_56 = arith.constant 0 : index
      %get3A_57 = arith.constant 0 : index
      %get3A_58 = vector.load %arg9[%get3A_56, %get3A_57] : memref<128x128xf32, #tpu.memory_space<vmem>>, vector<128x128xf32>
      %dot_general3A_59 = arith.constant dense<0.000000e+00> : vector<512x128xf32>
      %dot_general3A_60 = tpu.matmul %get3A_55, %get3A_58, %dot_general3A_59 {dimension_numbers = #tpu.dot_dimension_numbers<[1], [0], [0], [1], [0, 0, 1, 1], [], []>, transpose_lhs_hint = false} : vector<512x128xf32>, vector<128x128xf32>, vector<512x128xf32> -> vector<512x128xf32>
      %add3A_61 = arith.addf %dot_general3A_52, %dot_general3A_60 : vector<512x128xf32>
      %max3A = arith.constant 0.000000e+00 : f32
      %max3A_62 = vector.broadcast %max3A : f32 to vector<512x128xf32>
      %max3A_63 = arith.maximumf %add3A_61, %max3A_62 : vector<512x128xf32>
      %swap3A = arith.constant 0 : index
      %swap3A_64 = arith.constant 0 : index
      %swap3A_65 = vector.load %arg10[%swap3A, %swap3A_64] : memref<512x128xf32, #tpu.memory_space<vmem>>, vector<512x128xf32>
      tpu.vector_store %arg10[%swap3A, %swap3A_64], %max3A_63 {strides = array<i32>} : memref<512x128xf32, #tpu.memory_space<vmem>>, vector<512x128xf32>,
    } else {
    }
    return
  }
  func.func @transform_0(%arg0: i32) -> (i32, i32) {
    %c0_i32 = arith.constant 0 : i32
    %c0_i32_0 = arith.constant 0 : i32
    %c0_i32_1 = arith.constant 0 : i32
    return %c0_i32, %c0_i32_0 : i32, i32
  }
  func.func @transform_1(%arg0: i32) -> (i32, i32) {
    %c0_i32 = arith.constant 0 : i32
    %c0_i32_0 = arith.constant 0 : i32
    %c0_i32_1 = arith.constant 0 : i32
    return %c0_i32, %c0_i32_0 : i32, i32
  }
  func.func @transform_2(%arg0: i32) -> (i32, i32) {
    %c0_i32 = arith.constant 0 : i32
    %c0_i32_0 = arith.constant 0 : i32
    %c0_i32_1 = arith.constant 0 : i32
    return %c0_i32, %c0_i32_0 : i32, i32
  }
  func.func @transform_3(%arg0: i32) -> (i32, i32) {
    %c0_i32 = arith.constant 0 : i32
    %c0_i32_0 = arith.constant 0 : i32
    %c0_i32_1 = arith.constant 0 : i32
    return %c0_i32, %c0_i32_0 : i32, i32
  }
  func.func @transform_4(%arg0: i32) -> (i32, i32) {
    %c0_i32 = arith.constant 0 : i32
    %c0_i32_0 = arith.constant 0 : i32
    %c0_i32_1 = arith.constant 0 : i32
    return %c0_i32, %c0_i32_0 : i32, i32
  }
  func.func @transform_5(%arg0: i32) -> (i32, i32) {
    %c0_i32 = arith.constant 0 : i32
    %c0_i32_0 = arith.constant 0 : i32
    %c0_i32_1 = arith.constant 0 : i32
    return %c0_i32, %c0_i32_0 : i32, i32
  }
  func.func @transform_6(%arg0: i32) -> (i32, i32) {
    %c0_i32 = arith.constant 0 : i32
    %c0_i32_0 = arith.constant 0 : i32
    %c0_i32_1 = arith.constant 0 : i32
    return %c0_i32, %c0_i32_0 : i32, i32
  }
  func.func @transform_7(%arg0: i32) -> (i32, i32) {
    %c0_i32 = arith.constant 0 : i32
    %c0_i32_0 = arith.constant 0 : i32
    %c0_i32_1 = arith.constant 0 : i32
    return %c0_i32, %c0_i32_0 : i32, i32
  }
  func.func @transform_8(%arg0: i32) -> (i32, i32) {
    %c0_i32 = arith.constant 0 : i32
    %c0_i32_0 = arith.constant 0 : i32
    %c0_i32_1 = arith.constant 0 : i32
    return %c0_i32, %c0_i32_0 : i32, i32
  }
  func.func @transform_9(%arg0: i32) -> (i32, i32) {
    %c0_i32 = arith.constant 0 : i32
    %c0_i32_0 = arith.constant 0 : i32
    %c0_i32_1 = arith.constant 0 : i32
    return %c0_i32, %c0_i32_0 : i32, i32
  }
}

</mosaic_0001>

<sc_bundles>
// kernel: kernel.6.cloned.1.call-start
scs
__scs_entry_jumppad:
0x0: {  	(pc) =	sbr.rel $0x88, $3  }
0x1: {  	(tag) =	ssettag $0x0;
	lr =	simm.s32 $0x1  }
0x2: {  	[smem:$0x3F98] =	sst lr;
	_ =	strace $0xD0000000  }
0x3: {  	_ = 	snop  }
0x4: {  	_ = 	snop  }
0x5: {  	_ = 	snop  }
0x6: {  	_ = 	snop  }
0x7: {  	_ = 	snop  }
__scs_overlays_trampoline_lowered:
0x8: {  	[smem:$0x3FA7] =	sst s0  }
0x9: {  	[smem:$0x3FA8] =	sst s1  }
0xa: {  	[smem:$0x3FA9] =	sst s2  }
0xb: {  	[smem:$0x3FAA] =	sst s3  }
0xc: {  	[smem:$0x3FAB] =	sst s4  }
0xd: {  	[smem:$0x3FAC] =	sst s5  }
0xe: {  	[smem:$0x3FAD] =	sst s6  }
0xf: {  	[smem:$0x3FAE] =	sst s7  }
0x10: {  	[smem:$0x3FAF] =	sst s8  }
0x11: {  	[smem:$0x3FB0] =	sst s9;
	s0 =	simm.s32 @!p0 $0x0  }
0x12: {  	s1 =	sld [smem:$0x3F96];
	s0 =	simm.s32 @p0 $0x1  }
0x13: {  	[smem:$0x3FB1] =	sst s0;
	s0 =	simm.s32 @!p1 $0x0  }
0x14: {  	s2 =	sld [smem:$0x3F95];
	s0 =	simm.s32 @p1 $0x1  }
0x15: {  	[smem:$0x3FB2] =	sst s0;
	s0 =	simm.s32 @!p2 $0x0  }
0x16: {  	s3 =	sld [smem:$0x3FDB];
	s0 =	simm.s32 @p2 $0x1  }
0x17: {  	s4 =	simm.s32 $0x1BF5;
	[smem:$0x3FB4] =	sst s0  }
0x18: {  	s0 =	sld [smem:$0x3F97];
	_ =	swait.ge [sflag:s4], $0x0  }
0x19: {  	s7 =	sld [smem:$0x3F98]  }
0x1a: {  	s8 =	sadd.s32 $0xFFFFE003, lr  }
0x1b: {  	s9 =	sadd.s32 $0xFFFFFEF7, lr;
	s5 =	simm.s32 $0xFFFFFFFF;
	p2 =	slt.u32 s8, $0xFFFFF086  }
0x1c: {  	p1 =	slt.u32 s9, $0xF7A;
	s5 =	simm.s32 @!p2 $0x0  }
0x1d: {  	s5 =	simm.s32 @p1 $0x1;
	p0 =	seq.s32 s7, s2  }
0x1e: {  	s7 =	smul.u32 @!p0 $0xF7A, s2;
	p2 =	seq.s32 @!p0 s5, $0x0  }
0x1f: {  	s9 =	smul.u32 $0xF7A, s1;
	s8 =	simm.s32 @!p0 $0x1BF5;
	p2 =	por !p2, p0  }
0x20: {  	[sflag:s8] =	ssyncset.s32 @!p0 $0xFFFFF086;
	s6 =	sadd.s32 @!p0 s3, s7;
	s7 =	simm.s32 @!p0 $0x108  }
0x21: {  	s3 =	sadd.s32 s3, s9;
	s6 =	sadd.s32 @!p0 $0x88, s6;
	s7 =	simm.s32 @p2 $0x1082  }
0x22: {  	[simem:s7], [sflag:s8] =	dma.local @!p0 [hbm:s6], $0xF7A  }
0x23: {  	s9 =	sor.u32 $0xD0000000, s2;
	s6 =	simm.s32 $0x108;
	_ =	swait.ge @!p0 [sflag:s8], $0x0  }
0x24: {  	s3 =	sadd.s32 $0x88, s3;
	s6 =	simm.s32 @!p1 $0x1082;
	[sflag:s4] =	ssyncset.s32 $0xFFFFF086  }
0x25: {  	[simem:s6], [sflag:s4] =	dma.local [hbm:s3], $0xF7A  }
0x26: {  	[smem:$0x3F98] =	sst s1;
	(tag) =	ssettag s2;
	_ =	strace s9  }
0x27: {  	s1 =	sld [smem:$0x3FA8]  }
0x28: {  	s2 =	sld [smem:$0x3FA9]  }
0x29: {  	s4 =	sld [smem:$0x3FAB]  }
0x2a: {  	p0 =	seq.s32 s5, $0x0;
	s5 =	sld [smem:$0x3FAC]  }
0x2b: {  	s6 =	sld [smem:$0x3FAD]  }
0x2c: {  	s7 =	sld [smem:$0x3FAE]  }
0x2d: {  	s3 =	simm.s32 $0x108;
	s8 =	sld [smem:$0x3FAF]  }
0x2e: {  	s3 =	simm.s32 @!p0 $0x1082;
	s9 =	sld [smem:$0x3FB0]  }
0x2f: {  	lr =	sadd.s32 s0, s3;
	s0 =	sld [smem:$0x3FA7]  }
0x30: {  	s3 =	sld [smem:$0x3FAA]  }
0x31: {  	[smem:$0x3FB3] =	sst s10  }
0x32: {  	s10 =	sld [smem:$0x3FB1];
	_ =	sdelay $0x3  }
0x33: {  	p0 =	seq.s32 s10, $0x1;
	s10 =	sld [smem:$0x3FB3];
	_ =	sdelay $0x3  }
0x34: {  	[smem:$0x3FB3] =	sst s10  }
0x35: {  	s10 =	sld [smem:$0x3FB2];
	_ =	sdelay $0x3  }
0x36: {  	p1 =	seq.s32 s10, $0x1;
	s10 =	sld [smem:$0x3FB3];
	_ =	sdelay $0x3  }
0x37: {  	[smem:$0x3FB3] =	sst s10  }
0x38: {  	s10 =	sld [smem:$0x3FB4]  }
0x39: {  	_ = 	snop;
	(pc) =	sbr.ind lr, $3  }
0x3a: {  	_ = 	snop  }
0x3b: {  	_ = 	snop  }
0x3c: {  	p2 =	seq.s32 s10, $0x1;
	s10 =	sld [smem:$0x3FB3]  }
0x3d: {  	_ =	shalt  }
0x3e: {  	_ =	shalt  }
0x3f: {  	_ =	shalt  }
0x40: {  	_ =	shalt  }
0x41: {  	_ =	shalt  }
0x42: {  	_ =	shalt  }
0x43: {  	_ =	shalt  }
0x44: {  	_ =	shalt  }
0x45: {  	_ =	shalt  }
0x46: {  	_ =	shalt  }
0x47: {  	_ =	shalt  }
0x48: {  	_ =	shalt  }
0x49: {  	_ =	shalt  }
0x4a: {  	_ =	shalt  }
0x4b: {  	_ =	shalt  }
0x4c: {  	_ =	shalt  }
0x4d: {  	_ =	shalt  }
0x4e: {  	_ =	shalt  }
0x4f: {  	_ =	shalt  }
0x50: {  	_ =	shalt  }
0x51: {  	_ =	shalt  }
0x52: {  	_ =	shalt  }
0x53: {  	_ =	shalt  }
0x54: {  	_ =	shalt  }
0x55: {  	_ =	shalt  }
0x56: {  	_ =	shalt  }
0x57: {  	_ =	shalt  }
0x58: {  	_ =	shalt  }
0x59: {  	_ =	shalt  }
0x5a: {  	_ =	shalt  }
0x5b: {  	_ =	shalt  }
0x5c: {  	_ =	shalt  }
0x5d: {  	_ =	shalt  }
0x5e: {  	_ =	shalt  }
0x5f: {  	_ =	shalt  }
0x60: {  	_ =	shalt  }
0x61: {  	_ =	shalt  }
0x62: {  	_ =	shalt  }
0x63: {  	_ =	shalt  }
0x64: {  	_ =	shalt  }
0x65: {  	_ =	shalt  }
0x66: {  	_ =	shalt  }
0x67: {  	_ =	shalt  }
0x68: {  	_ =	shalt  }
0x69: {  	_ =	shalt  }
0x6a: {  	_ =	shalt  }
0x6b: {  	_ =	shalt  }
0x6c: {  	_ =	shalt  }
0x6d: {  	_ =	shalt  }
0x6e: {  	_ =	shalt  }
0x6f: {  	_ =	shalt  }
0x70: {  	_ =	shalt  }
0x71: {  	_ =	shalt  }
0x72: {  	_ =	shalt  }
0x73: {  	_ =	shalt  }
0x74: {  	_ =	shalt  }
0x75: {  	_ =	shalt  }
0x76: {  	_ =	shalt  }
0x77: {  	_ =	shalt  }
0x78: {  	_ =	shalt  }
0x79: {  	_ =	shalt  }
0x7a: {  	_ =	shalt  }
0x7b: {  	_ =	shalt  }
0x7c: {  	_ =	shalt  }
0x7d: {  	_ =	shalt  }
0x7e: {  	_ =	shalt  }
0x7f: {  	_ =	shalt  }
0x80: {  	_ =	shalt  }
0x81: {  	_ =	shalt  }
0x82: {  	_ =	shalt  }
0x83: {  	_ =	shalt  }
0x84: {  	_ =	shalt  }
0x85: {  	_ =	shalt  }
0x86: {  	_ =	shalt  }
0x87: {  	_ =	shalt  }
.Lfunc_end0:
.L_simem_size_0:
called_computation_lowered:
.L_overlay_start_0:
0x88: {  	s2 =	sld [smem:$0x3FD9]  }
0x89: {  	s3 =	sld [smem:$0x3FFE];
	_ =	sdelay $0x1  }
0x8a: {  	s1 =	srdreg.scid  }
0x8b: {  	s0 =	sand.u32 $0x1, s1  }
0x8c: {  	s17 =	sshll.u32 s0, $0xA;
	s2 =	sadd.s32 s3, s2  }
0x8d: {  	s2 =	sadd.s32 s2, s17  }
0x8e: {  	[smem:$0x3FBF] =	sst s2  }
0x8f: {  	_ = 	snop  }
0x90: {  	s2 =	sld [smem:$0x3FC9]  }
0x91: {  	s18 =	sld [smem:$0x3FC7];
	(tm) =	ssettm $0x1  }
0x92: {  	s4 =	sld [smem:$0x3FFB];
	_ =	sdelay $0x3  }
0x93: {  	_ =	strace s4  }
0x94: {  	s4 =	sld [smem:$0x3FFC];
	_ =	sdelay $0x3  }
0x95: {  	_ =	strace s4  }
0x96: {  	s4 =	sld [smem:$0x3FFD];
	_ =	sdelay $0x3  }
0x97: {  	_ =	strace s4  }
0x98: {  	_ =	strace $0x8FFFFFFF  }
0x99: {  	s19 =	sld [smem:$0x3FDB];
	_ =	sdelay $0x1  }
0x9a: {  	s5 =	simm.s32 $_scs_section_size  }
0x9b: {  	s6 =	simm.s32 $_size__tile_overlayer_lowered;
	s7 =	simm.s32 $_tile_overlayer_lowered  }
0x9c: {  	s22 =	simm.s32 $0x1BFF;
	s21 =	sshll.u32 s7, $0x1;
	s4 =	sadd.s32 s5, s19  }
0x9d: {  	s8 =	simm.s32 $0x0;
	s20 =	sshll.u32 s6, $0x1;
	s6 =	sadd.s32 s21, s4  }
0x9e: {  	[timem:s8], [sflag:s22] =	dma.local [hbm:s6], s20  }
0x9f: {  	_ =	swait.ge [sflag:s22], s20  }
0xa0: {  	s5 =	ssub.s32 $0x0, s20;
	[sflag:s22] =	ssyncset.done $0x0  }
0xa1: {  	[sflag:s22] =	ssyncadd.s32 s5;
	_ =	sdelay $0x1  }
0xa2: {  	s23 =	simm.s32 $0x1B8B  }
0xa3: {  	_ =	swait.ge [sflag:s23], $0x1  }
0xa4: {  	[sflag:s23] =	ssyncset.done $0x0  }
0xa5: {  	s25 =	simm.s32 $0x1B8E;
	s24 =	sld [smem:$0x3FFE];
	[sflag:s23] =	ssyncadd.s32 $0xFFFFFFFF  }
0xa6: {  	s26 =	simm.s32 $execute0_lowered;
	[smem:$0x3FD2] =	sst s25  }
0xa7: {  	s6 =	sshll.u32 s26, $0x1;
	_ =	strace $0x80000046;
	[dreg:$0x1] =	wrdreg $0xFFFFFFFF  }
0xa8: {  	s28 =	simm.s32 $_size_execute0_lowered;
	s4 =	sadd.s32 s4, s6;
	[dreg:$0x0] =	wrdreg $0x0  }
0xa9: {  	s6 =	sshll.u32 s28, $0x1;
	[dreg:$0x2] =	wrdreg s4  }
0xaa: {  	[dreg:$0x3] =	wrdreg s6  }
0xab: {  	[dreg:$0x4] =	wrdreg $0xC0  }
0xac: {  	_ =	task [dreg:s8], $0x5FFFF  }
0xad: {  	[dreg:$0x1] =	wrdreg $0xFFFFFFFF  }
0xae: {  	[dreg:$0x0] =	wrdreg $0x60  }
0xaf: {  	[dreg:$0x2] =	wrdreg s2  }
0xb0: {  	[dreg:$0x3] =	wrdreg s18  }
0xb1: {  	[dreg:$0x4] =	wrdreg s24  }
0xb2: {  	[dreg:$0x5] =	wrdreg $0x9  }
0xb3: {  	_ =	task.clear_ibuf [dreg:s8], $0x6FFFF;
	_ =	strace $0x90000046  }
0xb4: {  	s29 =	simm.s32 $0x9;
	_ =	strace $0x80000048  }
0xb5: {  	_ =	swait.ge [sflag:s29], $0x1  }
0xb6: {  	[sflag:s29] =	ssyncadd.s32 $0xFFFFFFFF  }
0xb7: {  	_ =	strace $0x90000048  }
0xb8: {  	_ =	sfence  }
0xb9: {  	s30 =	sld [smem:$0x0];
	_ =	sdelay $0x2  }
0xba: {  	s31 =	sshll.u32 s1, $0xD;
	s1 =	sshrl.u32 s1, $0x2  }
0xbb: {  	s3 =	sand.u32 $0x4000, s31;
	s1 =	sadd.s32 s1, s30  }
0xbc: {  	s0 =	sor.u32 s3, s0;
	s1 =	sshll.u32 s1, $0x11  }
0xbd: {  	s0 =	sor.u32 s1, s0  }
0xbe: {  	s0 =	sadd.s32 $0x8F2B, s0  }
0xbf: {  	[sflag:s0] =	ssyncadd.remote.s32 $0x1  }
0xc0: {  	_ =	sfence.sel $0xFFFF  }
0xc1: {  	[dreg:$0x0] =	wrdreg $0xFFFFFFFF;
	(pc) =	sbr.abs _section_cstart, $3  }
0xc2: {  	[dreg:$0x1] =	wrdreg $0xFFFFFFFF  }
0xc3: {  	_ =	task.clear_ibuf [dreg:s8], $0x2FFFF;
	_ =	strace $0x9FFFFFFF  }
0xc4: {  	(tm) =	ssettm $0x7FFFFFFF  }
0xc5: {  	_ =	shalt  }
tec
execute0_lowered:
.L_overlay_start_1:
0x0: {  	(tag) =	ssettag $0x1  }
0x1: {  	s1 =	rddreg [dreg:$0x0];
	s2 =	srdreg.scid  }
0x2: {  	s10 =	rddreg [dreg:$0x1];
	s0 =	stileid.u32;
	s22 =	sand.u32 $0x1, s2  }
0x3: {  	s17 =	rddreg [dreg:$0x2];
	s4 =	sshll.u32 s0, $0xA;
	s5 =	sshll.u32 s22, $0x9  }
0x4: {  	s3 =	simm.s32 $0x0;
	s2 =	rddreg [dreg:$0x3];
	s18 =	sor.u32 s5, s4  }
0x5: {  	[smem:$0x7FF] =	sst s3;
	s4 =	sshrl.u32 s18, $0x3  }
0x6: {  	_ =	strace $0x80000047;
	s5 =	simm.s32 $0x3;
	s4 =	sadd.s32 s10, s4  }
0x7: {  	[tilespmem:s3], [sflag:$0x3] =	stream.linear.gather [hbm4b:s4+s3], $0x80, $0x38;
	[tilespmem:$0x10200] =	vst v63  }
0x8: {  	s19 =	sor.u32 $0x80, s18;
	_ =	swait.ge [sflag:s5], $0x80  }
0x9: {  	s6 =	sshrl.u32 s19, $0x3;
	[sflag:s5] =	ssyncset.done $0x0  }
0xa: {  	s7 =	simm.s32 $0x80;
	s6 =	sadd.s32 s10, s6;
	[sflag:s5] =	ssyncadd.s32 $0xFFFFFF80  }
0xb: {  	[tilespmem:s7], [sflag:$0x3] =	stream.linear.gather [hbm4b:s6+s3], $0x80, $0x38;
	[tilespmem:$0x10200] =	vst v63  }
0xc: {  	s20 =	sor.u32 $0x100, s18;
	_ =	swait.ge [sflag:s5], $0x80  }
0xd: {  	s8 =	sshrl.u32 s20, $0x3;
	[sflag:s5] =	ssyncset.done $0x0  }
0xe: {  	s9 =	simm.s32 $0x100;
	s8 =	sadd.s32 s10, s8;
	[sflag:s5] =	ssyncadd.s32 $0xFFFFFF80  }
0xf: {  	[tilespmem:s9], [sflag:$0x3] =	stream.linear.gather [hbm4b:s8+s3], $0x80, $0x38;
	[tilespmem:$0x10200] =	vst v63  }
0x10: {  	s21 =	sor.u32 $0x180, s18;
	_ =	swait.ge [sflag:s5], $0x80  }
0x11: {  	s11 =	sshrl.u32 s21, $0x3;
	[sflag:s5] =	ssyncset.done $0x0  }
0x12: {  	s10 =	sadd.s32 s10, s11;
	s11 =	simm.s32 $0x180;
	[sflag:s5] =	ssyncadd.s32 $0xFFFFFF80  }
0x13: {  	[tilespmem:s11], [sflag:$0x3] =	stream.linear.gather [hbm4b:s10+s3], $0x80, $0x38;
	[tilespmem:$0x10200] =	vst v63  }
0x14: {  	_ =	swait.ge [sflag:s5], $0x80  }
0x15: {  	[sflag:s5] =	ssyncset.done $0x0  }
0x16: {  	s12 =	simm.s32 $0x200;
	[sflag:s5] =	ssyncadd.s32 $0xFFFFFF80  }
0x17: {  	[tilespmem:s12], [sflag:$0x1] =	stream.indirect.gather [hbm4b:s1+s7], $0x80, s3, s7, $0xb8;
	[tilespmem:$0x10200] =	vst v63  }
0x18: {  	s13 =	simm.s32 $0x4200  }
0x19: {  	[tilespmem:s13], [sflag:$0x1] =	stream.indirect.gather [hbm4b:s1+s7], $0x80, s7, s7, $0xb8;
	[tilespmem:$0x10200] =	vst v63  }
0x1a: {  	s14 =	simm.s32 $0x8200  }
0x1b: {  	[tilespmem:s14], [sflag:$0x1] =	stream.indirect.gather [hbm4b:s1+s7], $0x80, s9, s7, $0xb8;
	[tilespmem:$0x10200] =	vst v63  }
0x1c: {  	s15 =	simm.s32 $0xC200;
	s16 =	simm.s32 $0x1  }
0x1d: {  	[tilespmem:s15], [sflag:$0x1] =	stream.indirect.gather [hbm4b:s1+s7], $0x80, s11, s7, $0xb8;
	[tilespmem:$0x10200] =	vst v63  }
0x1e: {  	_ =	swait.ge [sflag:s16], $0x4000  }
0x1f: {  	s23 =	sadd.s32 $0x1800, s17;
	s26 =	sshll.u32 s18, $0x4;
	[sflag:s16] =	ssyncset.done $0x0  }
0x20: {  	s17 =	sadd.s32 s23, s26;
	[sflag:s16] =	ssyncadd.s32 $0xFFFFC000  }
0x21: {  	[hbm4b:s17+s3] =	stream.linear.scatter [tilespmem:s12], [sflag:$0x2], $0x4000, $0x38;
	[tilespmem:$0x10200] =	vst v63  }
0x22: {  	_ =	swait.ge [sflag:s16], $0x4000  }
0x23: {  	s28 =	sshll.u32 s19, $0x4;
	[sflag:s16] =	ssyncset.done $0x0  }
0x24: {  	s18 =	sadd.s32 s23, s28;
	[sflag:s16] =	ssyncadd.s32 $0xFFFFC000  }
0x25: {  	[hbm4b:s18+s3] =	stream.linear.scatter [tilespmem:s13], [sflag:$0x2], $0x4000, $0x38;
	[tilespmem:$0x10200] =	vst v63  }
0x26: {  	_ =	swait.ge [sflag:s16], $0x4000  }
0x27: {  	s29 =	sshll.u32 s20, $0x4;
	[sflag:s16] =	ssyncset.done $0x0  }
0x28: {  	s19 =	sadd.s32 s23, s29;
	[sflag:s16] =	ssyncadd.s32 $0xFFFFC000  }
0x29: {  	[hbm4b:s19+s3] =	stream.linear.scatter [tilespmem:s14], [sflag:$0x2], $0x4000, $0x38;
	[tilespmem:$0x10200] =	vst v63  }
0x2a: {  	_ =	swait.ge [sflag:s16], $0x4000  }
0x2b: {  	s30 =	sshll.u32 s21, $0x4;
	[sflag:s16] =	ssyncset.done $0x0  }
0x2c: {  	s20 =	simm.s32 $0x2;
	s21 =	sadd.s32 s23, s30;
	[sflag:s16] =	ssyncadd.s32 $0xFFFFC000  }
0x2d: {  	[hbm4b:s21+s3] =	stream.linear.scatter [tilespmem:s15], [sflag:$0x2], $0x4000, $0x38;
	[tilespmem:$0x10200] =	vst v63  }
0x2e: {  	_ =	swait.ge [sflag:s20], $0x4000  }
0x2f: {  	s22 =	ssub.s32 $0x2, s22;
	[sflag:s20] =	ssyncset.done $0x0  }
0x30: {  	s31 =	sshrl.u32 s22, $0x1;
	[sflag:s20] =	ssyncadd.s32 $0xFFFFC000  }
0x31: {  	s22 =	ssub.s32 s22, s31;
	_ =	swait.ge [sflag:s20], $0x4000  }
0x32: {  	s22 =	smax.u32 s22, $0x1;
	[sflag:s20] =	ssyncset.done $0x0  }
0x33: {  	p0 =	sne.s32 s22, $0x1;
	[sflag:s20] =	ssyncadd.s32 $0xFFFFC000  }
.Ltmp0:
0x34: {  	_ =	swait.ge [sflag:s20], $0x4000;
	(pc) =	sbr.rel @!p0 .LBB2_2-.Ltmp0, $4  }
0x35: {  	[sflag:s20] =	ssyncset.done $0x0  }
0x36: {  	[sflag:s20] =	ssyncadd.s32 $0xFFFFC000  }
0x37: {  	_ =	swait.ge [sflag:s20], $0x4000  }
0x38: {  	s22 =	sadd.s32 $0xFFFFFFFF, s22;
	[sflag:s20] =	ssyncset.done $0x0  }
.LBB2_1:
0x39: {  	p0 =	sne.s32 s22, $0x1;
	s22 =	sadd.s32 $0xFFFFFFFF, s22;
	[sflag:s20] =	ssyncadd.s32 $0xFFFFC000  }
0x3a: {  	[tilespmem:s3], [sflag:$0x3] =	stream.linear.gather [hbm4b:s4+s3], $0x80, $0x38;
	[tilespmem:$0x10200] =	vst v63  }
0x3b: {  	_ =	swait.ge [sflag:s5], $0x80  }
0x3c: {  	[sflag:s5] =	ssyncset.done $0x0  }
0x3d: {  	[sflag:s5] =	ssyncadd.s32 $0xFFFFFF80  }
0x3e: {  	[tilespmem:s7], [sflag:$0x3] =	stream.linear.gather [hbm4b:s6+s3], $0x80, $0x38;
	[tilespmem:$0x10200] =	vst v63  }
0x3f: {  	_ =	swait.ge [sflag:s5], $0x80  }
0x40: {  	[sflag:s5] =	ssyncset.done $0x0  }
0x41: {  	[sflag:s5] =	ssyncadd.s32 $0xFFFFFF80  }
0x42: {  	[tilespmem:s9], [sflag:$0x3] =	stream.linear.gather [hbm4b:s8+s3], $0x80, $0x38;
	[tilespmem:$0x10200] =	vst v63  }
0x43: {  	_ =	swait.ge [sflag:s5], $0x80  }
0x44: {  	[sflag:s5] =	ssyncset.done $0x0  }
0x45: {  	[sflag:s5] =	ssyncadd.s32 $0xFFFFFF80  }
0x46: {  	[tilespmem:s11], [sflag:$0x3] =	stream.linear.gather [hbm4b:s10+s3], $0x80, $0x38;
	[tilespmem:$0x10200] =	vst v63  }
0x47: {  	_ =	swait.ge [sflag:s5], $0x80  }
0x48: {  	[sflag:s5] =	ssyncset.done $0x0  }
0x49: {  	[sflag:s5] =	ssyncadd.s32 $0xFFFFFF80  }
0x4a: {  	[tilespmem:s12], [sflag:$0x1] =	stream.indirect.gather [hbm4b:s1+s7], $0x80, s3, s7, $0xb8;
	[tilespmem:$0x10200] =	vst v63  }
0x4b: {  	_ = 	snop  }
0x4c: {  	[tilespmem:s13], [sflag:$0x1] =	stream.indirect.gather [hbm4b:s1+s7], $0x80, s7, s7, $0xb8;
	[tilespmem:$0x10200] =	vst v63  }
0x4d: {  	_ = 	snop  }
0x4e: {  	[tilespmem:s14], [sflag:$0x1] =	stream.indirect.gather [hbm4b:s1+s7], $0x80, s9, s7, $0xb8;
	[tilespmem:$0x10200] =	vst v63  }
0x4f: {  	_ = 	snop  }
0x50: {  	[tilespmem:s15], [sflag:$0x1] =	stream.indirect.gather [hbm4b:s1+s7], $0x80, s11, s7, $0xb8;
	[tilespmem:$0x10200] =	vst v63  }
0x51: {  	_ =	swait.ge [sflag:s16], $0x4000  }
0x52: {  	[sflag:s16] =	ssyncset.done $0x0  }
0x53: {  	[sflag:s16] =	ssyncadd.s32 $0xFFFFC000  }
0x54: {  	[hbm4b:s17+s3] =	stream.linear.scatter [tilespmem:s12], [sflag:$0x2], $0x4000, $0x38;
	[tilespmem:$0x10200] =	vst v63  }
0x55: {  	_ =	swait.ge [sflag:s16], $0x4000  }
0x56: {  	[sflag:s16] =	ssyncset.done $0x0  }
0x57: {  	[sflag:s16] =	ssyncadd.s32 $0xFFFFC000  }
0x58: {  	[hbm4b:s18+s3] =	stream.linear.scatter [tilespmem:s13], [sflag:$0x2], $0x4000, $0x38;
	[tilespmem:$0x10200] =	vst v63  }
0x59: {  	_ =	swait.ge [sflag:s16], $0x4000  }
0x5a: {  	[sflag:s16] =	ssyncset.done $0x0  }
0x5b: {  	[sflag:s16] =	ssyncadd.s32 $0xFFFFC000  }
0x5c: {  	[hbm4b:s19+s3] =	stream.linear.scatter [tilespmem:s14], [sflag:$0x2], $0x4000, $0x38;
	[tilespmem:$0x10200] =	vst v63  }
0x5d: {  	_ =	swait.ge [sflag:s16], $0x4000  }
0x5e: {  	[sflag:s16] =	ssyncset.done $0x0  }
0x5f: {  	[sflag:s16] =	ssyncadd.s32 $0xFFFFC000  }
0x60: {  	[hbm4b:s21+s3] =	stream.linear.scatter [tilespmem:s15], [sflag:$0x2], $0x4000, $0x38;
	[tilespmem:$0x10200] =	vst v63  }
0x61: {  	_ =	swait.ge [sflag:s20], $0x4000  }
0x62: {  	[sflag:s20] =	ssyncset.done $0x0  }
0x63: {  	[sflag:s20] =	ssyncadd.s32 $0xFFFFC000  }
0x64: {  	_ =	swait.ge [sflag:s20], $0x4000  }
0x65: {  	[sflag:s20] =	ssyncset.done $0x0  }
0x66: {  	[sflag:s20] =	ssyncadd.s32 $0xFFFFC000  }
.Ltmp1:
0x67: {  	_ =	swait.ge [sflag:s20], $0x4000;
	(pc) =	sbr.rel @p0 .LBB2_1-.Ltmp1, $4  }
0x68: {  	[sflag:s20] =	ssyncset.done $0x0  }
0x69: {  	[sflag:s20] =	ssyncadd.s32 $0xFFFFC000  }
0x6a: {  	_ =	swait.ge [sflag:s20], $0x4000  }
0x6b: {  	[sflag:s20] =	ssyncset.done $0x0  }
.LBB2_2:
0x6c: {  	[sflag:s20] =	ssyncadd.s32 $0xFFFFC000  }
0x6d: {  	_ =	sfence.sel $0x180000  }
0x6e: {  	[bflag:$0x0] =	sbarrier.arrive $0xFFFF  }
0x6f: {  	p0 =	sne.s32 s0, $0x0;
	_ =	strace $0x90000047  }
0x70: {  	s0 =	sadd.s32 @!p0 $0x100000, s2;
	[bflag:$0x2] =	sbarrier.arrive $0xFFFF  }
0x71: {  	[sflag:s0] =	ssyncadd.tile.s32 @!p0 $0x1;
	_ =	shalt  }
.Lfunc_end2:
_tile_overlayer_lowered:
.L_overlay_start_2:
0x72: {  	(tag) =	ssettag $0x2  }
0x73: {  	s0 =	rddreg [dreg:$0x0];
	s2 =	stileid.u32  }
0x74: {  	s1 =	rddreg [dreg:$0x1];
	p0 =	sne.s32 s2, $0x0  }
0x75: {  	s3 =	rddreg [dreg:$0x2];
	[bflag:$0x3] =	sbarrier.arrive $0xFFFF;
	s2 =	simm.s32 @!p0 $0x1C03  }
0x76: {  	[timem:s3], [sflag:s2] =	dma.local @!p0 [hbm:s0], s1  }
0x77: {  	s0 =	simm.s32 @!p0 $0x3  }
0x78: {  	_ =	swait.ge @!p0 [sflag:s0], s1  }
0x79: {  	s1 =	ssub.s32 @!p0 $0x0, s1;
	[sflag:s0] =	ssyncset.done @!p0 $0x0  }
0x7a: {  	[sflag:s0] =	ssyncadd.s32 @!p0 s1  }
0x7b: {  	[bflag:$0x3] =	sbarrier.arrive $0xFFFF  }
0x7c: {  	_ =	shalt  }

// kernel: kernel.9.cloned.1.call-start
scs
__scs_entry_jumppad:
0x0: {  	(pc) =	sbr.rel $0x88, $3  }
0x1: {  	(tag) =	ssettag $0x0;
	lr =	simm.s32 $0x1  }
0x2: {  	[smem:$0x3F98] =	sst lr;
	_ =	strace $0xD0000000  }
0x3: {  	_ = 	snop  }
0x4: {  	_ = 	snop  }
0x5: {  	_ = 	snop  }
0x6: {  	_ = 	snop  }
0x7: {  	_ = 	snop  }
__scs_overlays_trampoline_lowered:
0x8: {  	[smem:$0x3FA7] =	sst s0  }
0x9: {  	[smem:$0x3FA8] =	sst s1  }
0xa: {  	[smem:$0x3FA9] =	sst s2  }
0xb: {  	[smem:$0x3FAA] =	sst s3  }
0xc: {  	[smem:$0x3FAB] =	sst s4  }
0xd: {  	[smem:$0x3FAC] =	sst s5  }
0xe: {  	[smem:$0x3FAD] =	sst s6  }
0xf: {  	[smem:$0x3FAE] =	sst s7  }
0x10: {  	[smem:$0x3FAF] =	sst s8  }
0x11: {  	[smem:$0x3FB0] =	sst s9;
	s0 =	simm.s32 @!p0 $0x0  }
0x12: {  	s1 =	sld [smem:$0x3F96];
	s0 =	simm.s32 @p0 $0x1  }
0x13: {  	[smem:$0x3FB1] =	sst s0;
	s0 =	simm.s32 @!p1 $0x0  }
0x14: {  	s2 =	sld [smem:$0x3F95];
	s0 =	simm.s32 @p1 $0x1  }
0x15: {  	[smem:$0x3FB2] =	sst s0;
	s0 =	simm.s32 @!p2 $0x0  }
0x16: {  	s3 =	sld [smem:$0x3FDB];
	s0 =	simm.s32 @p2 $0x1  }
0x17: {  	s4 =	simm.s32 $0x1BF5;
	[smem:$0x3FB4] =	sst s0  }
0x18: {  	s0 =	sld [smem:$0x3F97];
	_ =	swait.ge [sflag:s4], $0x0  }
0x19: {  	s7 =	sld [smem:$0x3F98]  }
0x1a: {  	s8 =	sadd.s32 $0xFFFFE003, lr  }
0x1b: {  	s9 =	sadd.s32 $0xFFFFFEF7, lr;
	s5 =	simm.s32 $0xFFFFFFFF;
	p2 =	slt.u32 s8, $0xFFFFF086  }
0x1c: {  	p1 =	slt.u32 s9, $0xF7A;
	s5 =	simm.s32 @!p2 $0x0  }
0x1d: {  	s5 =	simm.s32 @p1 $0x1;
	p0 =	seq.s32 s7, s2  }
0x1e: {  	s7 =	smul.u32 @!p0 $0xF7A, s2;
	p2 =	seq.s32 @!p0 s5, $0x0  }
0x1f: {  	s9 =	smul.u32 $0xF7A, s1;
	s8 =	simm.s32 @!p0 $0x1BF5;
	p2 =	por !p2, p0  }
0x20: {  	[sflag:s8] =	ssyncset.s32 @!p0 $0xFFFFF086;
	s6 =	sadd.s32 @!p0 s3, s7;
	s7 =	simm.s32 @!p0 $0x108  }
0x21: {  	s3 =	sadd.s32 s3, s9;
	s6 =	sadd.s32 @!p0 $0x88, s6;
	s7 =	simm.s32 @p2 $0x1082  }
0x22: {  	[simem:s7], [sflag:s8] =	dma.local @!p0 [hbm:s6], $0xF7A  }
0x23: {  	s9 =	sor.u32 $0xD0000000, s2;
	s6 =	simm.s32 $0x108;
	_ =	swait.ge @!p0 [sflag:s8], $0x0  }
0x24: {  	s3 =	sadd.s32 $0x88, s3;
	s6 =	simm.s32 @!p1 $0x1082;
	[sflag:s4] =	ssyncset.s32 $0xFFFFF086  }
0x25: {  	[simem:s6], [sflag:s4] =	dma.local [hbm:s3], $0xF7A  }
0x26: {  	[smem:$0x3F98] =	sst s1;
	(tag) =	ssettag s2;
	_ =	strace s9  }
0x27: {  	s1 =	sld [smem:$0x3FA8]  }
0x28: {  	s2 =	sld [smem:$0x3FA9]  }
0x29: {  	s4 =	sld [smem:$0x3FAB]  }
0x2a: {  	p0 =	seq.s32 s5, $0x0;
	s5 =	sld [smem:$0x3FAC]  }
0x2b: {  	s6 =	sld [smem:$0x3FAD]  }
0x2c: {  	s7 =	sld [smem:$0x3FAE]  }
0x2d: {  	s3 =	simm.s32 $0x108;
	s8 =	sld [smem:$0x3FAF]  }
0x2e: {  	s3 =	simm.s32 @!p0 $0x1082;
	s9 =	sld [smem:$0x3FB0]  }
0x2f: {  	lr =	sadd.s32 s0, s3;
	s0 =	sld [smem:$0x3FA7]  }
0x30: {  	s3 =	sld [smem:$0x3FAA]  }
0x31: {  	[smem:$0x3FB3] =	sst s10  }
0x32: {  	s10 =	sld [smem:$0x3FB1];
	_ =	sdelay $0x3  }
0x33: {  	p0 =	seq.s32 s10, $0x1;
	s10 =	sld [smem:$0x3FB3];
	_ =	sdelay $0x3  }
0x34: {  	[smem:$0x3FB3] =	sst s10  }
0x35: {  	s10 =	sld [smem:$0x3FB2];
	_ =	sdelay $0x3  }
0x36: {  	p1 =	seq.s32 s10, $0x1;
	s10 =	sld [smem:$0x3FB3];
	_ =	sdelay $0x3  }
0x37: {  	[smem:$0x3FB3] =	sst s10  }
0x38: {  	s10 =	sld [smem:$0x3FB4]  }
0x39: {  	_ = 	snop;
	(pc) =	sbr.ind lr, $3  }
0x3a: {  	_ = 	snop  }
0x3b: {  	_ = 	snop  }
0x3c: {  	p2 =	seq.s32 s10, $0x1;
	s10 =	sld [smem:$0x3FB3]  }
0x3d: {  	_ =	shalt  }
0x3e: {  	_ =	shalt  }
0x3f: {  	_ =	shalt  }
0x40: {  	_ =	shalt  }
0x41: {  	_ =	shalt  }
0x42: {  	_ =	shalt  }
0x43: {  	_ =	shalt  }
0x44: {  	_ =	shalt  }
0x45: {  	_ =	shalt  }
0x46: {  	_ =	shalt  }
0x47: {  	_ =	shalt  }
0x48: {  	_ =	shalt  }
0x49: {  	_ =	shalt  }
0x4a: {  	_ =	shalt  }
0x4b: {  	_ =	shalt  }
0x4c: {  	_ =	shalt  }
0x4d: {  	_ =	shalt  }
0x4e: {  	_ =	shalt  }
0x4f: {  	_ =	shalt  }
0x50: {  	_ =	shalt  }
0x51: {  	_ =	shalt  }
0x52: {  	_ =	shalt  }
0x53: {  	_ =	shalt  }
0x54: {  	_ =	shalt  }
0x55: {  	_ =	shalt  }
0x56: {  	_ =	shalt  }
0x57: {  	_ =	shalt  }
0x58: {  	_ =	shalt  }
0x59: {  	_ =	shalt  }
0x5a: {  	_ =	shalt  }
0x5b: {  	_ =	shalt  }
0x5c: {  	_ =	shalt  }
0x5d: {  	_ =	shalt  }
0x5e: {  	_ =	shalt  }
0x5f: {  	_ =	shalt  }
0x60: {  	_ =	shalt  }
0x61: {  	_ =	shalt  }
0x62: {  	_ =	shalt  }
0x63: {  	_ =	shalt  }
0x64: {  	_ =	shalt  }
0x65: {  	_ =	shalt  }
0x66: {  	_ =	shalt  }
0x67: {  	_ =	shalt  }
0x68: {  	_ =	shalt  }
0x69: {  	_ =	shalt  }
0x6a: {  	_ =	shalt  }
0x6b: {  	_ =	shalt  }
0x6c: {  	_ =	shalt  }
0x6d: {  	_ =	shalt  }
0x6e: {  	_ =	shalt  }
0x6f: {  	_ =	shalt  }
0x70: {  	_ =	shalt  }
0x71: {  	_ =	shalt  }
0x72: {  	_ =	shalt  }
0x73: {  	_ =	shalt  }
0x74: {  	_ =	shalt  }
0x75: {  	_ =	shalt  }
0x76: {  	_ =	shalt  }
0x77: {  	_ =	shalt  }
0x78: {  	_ =	shalt  }
0x79: {  	_ =	shalt  }
0x7a: {  	_ =	shalt  }
0x7b: {  	_ =	shalt  }
0x7c: {  	_ =	shalt  }
0x7d: {  	_ =	shalt  }
0x7e: {  	_ =	shalt  }
0x7f: {  	_ =	shalt  }
0x80: {  	_ =	shalt  }
0x81: {  	_ =	shalt  }
0x82: {  	_ =	shalt  }
0x83: {  	_ =	shalt  }
0x84: {  	_ =	shalt  }
0x85: {  	_ =	shalt  }
0x86: {  	_ =	shalt  }
0x87: {  	_ =	shalt  }
.Lfunc_end0:
.L_simem_size_0:
called_computation.1_lowered:
.L_overlay_start_0:
0x88: {  	s2 =	sld [smem:$0x3FD9]  }
0x89: {  	s3 =	sld [smem:$0x3FFE];
	_ =	sdelay $0x1  }
0x8a: {  	s1 =	srdreg.scid  }
0x8b: {  	s0 =	sand.u32 $0x1, s1  }
0x8c: {  	s17 =	sshll.u32 s0, $0xA;
	s2 =	sadd.s32 s3, s2  }
0x8d: {  	s2 =	sadd.s32 s2, s17  }
0x8e: {  	[smem:$0x3FBF] =	sst s2  }
0x8f: {  	_ = 	snop  }
0x90: {  	s18 =	sld [smem:$0x3FC9]  }
0x91: {  	s4 =	sld [smem:$0x3FC5];
	(tm) =	ssettm $0x1  }
0x92: {  	s19 =	sld [smem:$0x3FFB];
	_ =	sdelay $0x3  }
0x93: {  	_ =	strace s19  }
0x94: {  	s2 =	sld [smem:$0x3FFC];
	_ =	sdelay $0x3  }
0x95: {  	_ =	strace s2  }
0x96: {  	s2 =	sld [smem:$0x3FFD];
	_ =	sdelay $0x3  }
0x97: {  	_ =	strace s2  }
0x98: {  	_ =	strace $0x8FFFFFFF  }
0x99: {  	s20 =	sld [smem:$0x3FDB];
	_ =	sdelay $0x1  }
0x9a: {  	s5 =	simm.s32 $_scs_section_size  }
0x9b: {  	s6 =	simm.s32 $_size__tile_overlayer_lowered;
	s7 =	simm.s32 $_tile_overlayer_lowered  }
0x9c: {  	s8 =	simm.s32 $0x1BFF;
	s21 =	sshll.u32 s7, $0x1;
	s5 =	sadd.s32 s5, s20  }
0x9d: {  	s22 =	simm.s32 $0x0;
	s6 =	sshll.u32 s6, $0x1;
	s7 =	sadd.s32 s21, s5  }
0x9e: {  	[timem:s22], [sflag:s8] =	dma.local [hbm:s7], s6  }
0x9f: {  	_ =	swait.ge [sflag:s8], s6  }
0xa0: {  	s6 =	ssub.s32 $0x0, s6;
	[sflag:s8] =	ssyncset.done $0x0  }
0xa1: {  	[sflag:s8] =	ssyncadd.s32 s6;
	_ =	sdelay $0x1  }
0xa2: {  	s23 =	simm.s32 $0x1B8B  }
0xa3: {  	_ =	swait.ge [sflag:s23], $0x1  }
0xa4: {  	[sflag:s23] =	ssyncset.done $0x0  }
0xa5: {  	[sflag:s23] =	ssyncadd.s32 $0xFFFFFFFF  }
0xa6: {  	s6 =	sld [smem:$0x0]  }
0xa7: {  	s7 =	sand.u32 $0xFFFFFFFE, s1  }
0xa8: {  	p0 =	sne.s32 s1, s7  }
0xa9: {  	s7 =	sshll.u32 @p0 s7, $0xE  }
0xaa: {  	s7 =	sadd.s32 @p0 $0x11B8D, s7;
	s8 =	sshll.u32 @p0 s6, $0x11  }
0xab: {  	s7 =	sor.u32 @p0 s8, s7  }
0xac: {  	[sflag:s7] =	ssyncadd.remote.s32 @p0 $0x1;
	_ =	sdelay $0x1  }
0xad: {  	s7 =	simm.s32 @p0 $0x1B8D  }
0xae: {  	_ =	swait.eq @p0 [sflag:s7], $0x1  }
0xaf: {  	[sflag:s7] =	ssyncadd.s32 @p0 $0xFFFFFFFF  }
0xb0: {  	s8 =	sshll.u32 @!p0 s1, $0xE  }
0xb1: {  	s8 =	sor.u32 @!p0 $0x4000, s8;
	s7 =	simm.s32 @!p0 $0x1B8D  }
0xb2: {  	s6 =	sshll.u32 @!p0 s6, $0x11;
	s8 =	sadd.s32 @!p0 $0x11B8D, s8;
	_ =	swait.eq @!p0 [sflag:s7], $0x1  }
0xb3: {  	s6 =	sor.u32 @!p0 s6, s8;
	[sflag:s7] =	ssyncadd.s32 @!p0 $0xFFFFFFFF  }
0xb4: {  	s25 =	simm.s32 $0x1B8E;
	s24 =	sld [smem:$0x3FFE];
	[sflag:s6] =	ssyncadd.remote.s32 @!p0 $0x1  }
0xb5: {  	s26 =	simm.s32 $execute0_lowered;
	[smem:$0x3FD2] =	sst s25  }
0xb6: {  	s7 =	sshll.u32 s26, $0x1;
	_ =	strace $0x80000049;
	[dreg:$0x1] =	wrdreg $0xFFFFFFFF  }
0xb7: {  	s28 =	simm.s32 $_size_execute0_lowered;
	s5 =	sadd.s32 s5, s7;
	[dreg:$0x0] =	wrdreg $0x0  }
0xb8: {  	s7 =	sshll.u32 s28, $0x1;
	[dreg:$0x2] =	wrdreg s5  }
0xb9: {  	[dreg:$0x3] =	wrdreg s7  }
0xba: {  	[dreg:$0x4] =	wrdreg $0xC0  }
0xbb: {  	_ =	task [dreg:s22], $0x5FFFF  }
0xbc: {  	[dreg:$0x1] =	wrdreg $0xFFFFFFFF  }
0xbd: {  	[dreg:$0x0] =	wrdreg $0x60  }
0xbe: {  	[dreg:$0x2] =	wrdreg s18  }
0xbf: {  	[dreg:$0x3] =	wrdreg s4  }
0xc0: {  	[dreg:$0x4] =	wrdreg s24  }
0xc1: {  	[dreg:$0x5] =	wrdreg $0xA  }
0xc2: {  	_ =	task.clear_ibuf [dreg:s22], $0x6FFFF;
	_ =	strace $0x90000049  }
0xc3: {  	s29 =	simm.s32 $0xA;
	_ =	strace $0x8000004B  }
0xc4: {  	_ =	swait.ge [sflag:s29], $0x1  }
0xc5: {  	[sflag:s29] =	ssyncadd.s32 $0xFFFFFFFF  }
0xc6: {  	_ =	strace $0x9000004B  }
0xc7: {  	_ =	sfence  }
0xc8: {  	s30 =	sld [smem:$0x0];
	_ =	sdelay $0x2  }
0xc9: {  	s31 =	sshll.u32 s1, $0xD;
	s1 =	sshrl.u32 s1, $0x2  }
0xca: {  	s4 =	sand.u32 $0x4000, s31;
	s1 =	sadd.s32 s1, s30  }
0xcb: {  	s0 =	sor.u32 s4, s0;
	s1 =	sshll.u32 s1, $0x11  }
0xcc: {  	s0 =	sor.u32 s1, s0  }
0xcd: {  	s0 =	sadd.s32 $0x8F2B, s0  }
0xce: {  	[sflag:s0] =	ssyncadd.remote.s32 $0x1  }
0xcf: {  	_ =	sfence.sel $0xFFFF  }
0xd0: {  	[dreg:$0x0] =	wrdreg $0xFFFFFFFF;
	(pc) =	sbr.abs _section_cstart, $3  }
0xd1: {  	[dreg:$0x1] =	wrdreg $0xFFFFFFFF  }
0xd2: {  	_ =	task.clear_ibuf [dreg:s22], $0x2FFFF;
	_ =	strace $0x9FFFFFFF  }
0xd3: {  	(tm) =	ssettm $0x7FFFFFFF  }
tec
execute0_lowered:
.L_overlay_start_1:
0x0: {  	(tag) =	ssettag $0x1  }
0x1: {  	s1 =	rddreg [dreg:$0x0];
	s2 =	srdreg.scid  }
0x2: {  	s4 =	rddreg [dreg:$0x1];
	s0 =	stileid.u32  }
0x3: {  	s9 =	rddreg [dreg:$0x2];
	s3 =	simm.s32 $0x0;
	s6 =	sand.u32 $0x1, s2  }
0x4: {  	s5 =	sshll.u32 s0, $0x7;
	s2 =	rddreg [dreg:$0x3];
	s7 =	sshll.u32 s6, $0x6  }
0x5: {  	s8 =	simm.s32 $0x1;
	[smem:$0x7FF] =	sst s3;
	s7 =	sor.u32 s7, s5  }
0x6: {  	_ =	strace $0x8000004A;
	s11 =	ssub.s32 $0x2, s6;
	s5 =	sshrl.u32 s7, $0x3  }
0x7: {  	s6 =	simm.s32 $0x40;
	s4 =	sadd.s32 s4, s5;
	s5 =	simm.s32 $0x3  }
0x8: {  	[tilespmem:s3], [sflag:$0x3] =	stream.linear.gather [hbm4b:s4+s3], $0x40, $0x38;
	[tilespmem:$0x2080] =	vst v63  }
0x9: {  	s31 =	sshrl.u32 s11, $0x1;
	s10 =	sshll.u32 s7, $0x4;
	_ =	swait.ge [sflag:s5], $0x40  }
0xa: {  	s9 =	sadd.s32 s10, s9;
	s10 =	ssub.s32 s11, s31;
	[sflag:s5] =	ssyncset.done $0x0  }
0xb: {  	s7 =	simm.s32 $0x80;
	s11 =	smax.u32 s10, $0x1;
	[sflag:s5] =	ssyncadd.s32 $0xFFFFFFC0  }
0xc: {  	[tilespmem:s7], [sflag:$0x1] =	stream.indirect.gather [hbm4b:s1+s6], $0x80, s3, s6, $0xb8;
	[tilespmem:$0x2080] =	vst v63  }
0xd: {  	p0 =	sne.s32 s11, $0x1;
	_ =	swait.ge [sflag:s8], $0x2000  }
.Ltmp0:
0xe: {  	[sflag:s8] =	ssyncset.done $0x0;
	(pc) =	sbr.rel @!p0 .LBB2_2-.Ltmp0, $4  }
0xf: {  	s9 =	sadd.s32 $0x41800, s9;
	s10 =	simm.s32 $0x2;
	[sflag:s8] =	ssyncadd.s32 $0xFFFFE000  }
0x10: {  	[hbm4b:s9+s3] =	stream.linear.scatter [tilespmem:s7], [sflag:$0x2], $0x2000, $0x38;
	[tilespmem:$0x2080] =	vst v63  }
0x11: {  	_ =	swait.ge [sflag:s10], $0x2000  }
0x12: {  	s11 =	sadd.s32 $0xFFFFFFFF, s11;
	[sflag:s10] =	ssyncset.done $0x0  }
.LBB2_1:
0x13: {  	p0 =	sne.s32 s11, $0x1;
	s11 =	sadd.s32 $0xFFFFFFFF, s11;
	[sflag:s10] =	ssyncadd.s32 $0xFFFFE000  }
0x14: {  	[tilespmem:s3], [sflag:$0x3] =	stream.linear.gather [hbm4b:s4+s3], $0x40, $0x38;
	[tilespmem:$0x2080] =	vst v63  }
0x15: {  	_ =	swait.ge [sflag:s5], $0x40  }
0x16: {  	[sflag:s5] =	ssyncset.done $0x0  }
0x17: {  	[sflag:s5] =	ssyncadd.s32 $0xFFFFFFC0  }
0x18: {  	[tilespmem:s7], [sflag:$0x1] =	stream.indirect.gather [hbm4b:s1+s6], $0x80, s3, s6, $0xb8;
	[tilespmem:$0x2080] =	vst v63  }
0x19: {  	_ =	swait.ge [sflag:s8], $0x2000  }
.Ltmp1:
0x1a: {  	[sflag:s8] =	ssyncset.done $0x0;
	(pc) =	sbr.rel @p0 .LBB2_1-.Ltmp1, $4  }
0x1b: {  	[sflag:s8] =	ssyncadd.s32 $0xFFFFE000  }
0x1c: {  	[hbm4b:s9+s3] =	stream.linear.scatter [tilespmem:s7], [sflag:$0x2], $0x2000, $0x38;
	[tilespmem:$0x2080] =	vst v63  }
0x1d: {  	_ =	swait.ge [sflag:s10], $0x2000  }
0x1e: {  	[sflag:s10] =	ssyncset.done $0x0  }
.LBB2_2:
0x1f: {  	[sflag:s10] =	ssyncadd.s32 $0xFFFFE000  }
0x20: {  	_ =	sfence.sel $0x180000  }
0x21: {  	[bflag:$0x0] =	sbarrier.arrive $0xFFFF  }
0x22: {  	p0 =	sne.s32 s0, $0x0;
	_ =	strace $0x9000004A  }
0x23: {  	s0 =	sadd.s32 @!p0 $0x100000, s2;
	[bflag:$0x2] =	sbarrier.arrive $0xFFFF  }
0x24: {  	[sflag:s0] =	ssyncadd.tile.s32 @!p0 $0x1;
	_ =	shalt  }
.Lfunc_end2:
_tile_overlayer_lowered:
.L_overlay_start_2:
0x25: {  	(tag) =	ssettag $0x2  }
0x26: {  	s0 =	rddreg [dreg:$0x0];
	s2 =	stileid.u32  }
0x27: {  	s1 =	rddreg [dreg:$0x1];
	p0 =	sne.s32 s2, $0x0  }
0x28: {  	s3 =	rddreg [dreg:$0x2];
	[bflag:$0x3] =	sbarrier.arrive $0xFFFF;
	s2 =	simm.s32 @!p0 $0x1C03  }
0x29: {  	[timem:s3], [sflag:s2] =	dma.local @!p0 [hbm:s0], s1  }
0x2a: {  	s0 =	simm.s32 @!p0 $0x3  }
0x2b: {  	_ =	swait.ge @!p0 [sflag:s0], s1  }
0x2c: {  	s1 =	ssub.s32 @!p0 $0x0, s1;
	[sflag:s0] =	ssyncset.done @!p0 $0x0  }
0x2d: {  	[sflag:s0] =	ssyncadd.s32 @!p0 s1  }
0x2e: {  	[bflag:$0x3] =	sbarrier.arrive $0xFFFF  }
0x2f: {  	_ =	shalt  }

</sc_bundles>
